<compile_context>
chip_gen: v7x
topology: tpu7x:2x2x1
jax: 0.10.2.dev20260603
libtpu: 0.0.44.dev20260713+nightly
codegen_flags: <defaults>
</compile_context>

<pallas_src>
import functools

import jax
import jax.numpy as jnp
import numpy as np
from jax import lax
from jax.experimental import pallas as pl
from jax.experimental.pallas import tpu as pltpu
from jax.experimental.pallas import tpu_sc as plsc

N = 10000
F_IN = 128
H = 16
PK = 128 // H
NP = N // PK
BN_EPS = 1e-5
BN_SCALE = float(1.0 / np.sqrt(1.0 + BN_EPS))

NC = 2
NS = 16
NW = NC * NS
EPW = 10000
ECH = 2000
NCH = EPW // ECH
N_ACC = 10240
ZROWS = N_ACC // NS
OROWS = 624
OTAIL = N - NS * OROWS
NBUF = 3


def _segment_sum_sc(y, edge_index):
    mesh = plsc.VectorSubcoreMesh(core_axis_name="c", subcore_axis_name="s")

    @functools.partial(
        pl.kernel,
        out_type=(jax.ShapeDtypeStruct((N, H), jnp.float32),
                  jax.ShapeDtypeStruct((N, H), jnp.float32)),
        mesh=mesh,
        scratch_types=[
            pltpu.VMEM((EPW,), jnp.int32),
            pltpu.VMEM((EPW,), jnp.int32),
            [pltpu.VMEM((ECH, H), jnp.float32)] * NBUF,
            pltpu.VMEM((128, H), jnp.float32),
            pltpu.VMEM_SHARED((N_ACC, H), jnp.float32),
            [pltpu.SemaphoreType.DMA] * NBUF,
            [pltpu.SemaphoreType.DMA] * NBUF,
        ],
        compiler_params=pltpu.CompilerParams(use_tc_tiling_on_sc=False),
    )
    def kern(y_hbm, ei_hbm, out0, out1,
             src_v, dst_v, bufs, zbuf, acc, gsems, ssems):
        c = lax.axis_index("c")
        s = lax.axis_index("s")
        w = c * NS + s

        pltpu.sync_copy(ei_hbm.at[0, pl.ds(w * EPW, EPW)], src_v)
        pltpu.sync_copy(ei_hbm.at[1, pl.ds(w * EPW, EPW)], dst_v)

        zero_row = jnp.zeros((H,), jnp.float32)

        def zero_body(i, carry):
            zbuf[i, :] = zero_row
            return carry

        lax.fori_loop(0, 128, zero_body, 0)
        for t in range(ZROWS // 128):
            pltpu.sync_copy(zbuf, acc.at[pl.ds(s * ZROWS + t * 128, 128)])
        plsc.subcore_barrier()

        def sg(j, b):
            pltpu.async_copy(
                y_hbm.at[src_v.at[pl.ds(j * ECH, ECH)]], bufs[b], gsems[b])

        def dg(j, b):
            pltpu.make_async_copy(
                y_hbm.at[src_v.at[pl.ds(j * ECH, ECH)]], bufs[b],
                gsems[b]).wait()

        def ss(j, b):
            pltpu.async_copy(
                bufs[b], acc.at[dst_v.at[pl.ds(j * ECH, ECH)]], ssems[b],
                add=True)

        def ws(j, b):
            pltpu.make_async_copy(
                bufs[b], acc.at[dst_v.at[pl.ds(j * ECH, ECH)]],
                ssems[b]).wait()

        sg(0, 0)
        sg(1, 1)
        dg(0, 0); ss(0, 0); sg(2, 2)
        dg(1, 1); ss(1, 1); ws(0, 0); sg(3, 0)
        dg(2, 2); ss(2, 2); ws(1, 1); sg(4, 1)
        dg(3, 0); ss(3, 0); ws(2, 2)
        dg(4, 1); ss(4, 1); ws(3, 0)
        ws(4, 1)
        plsc.subcore_barrier()

        @pl.when(c == 0)
        def _copy_out0():
            pltpu.sync_copy(acc.at[pl.ds(s * OROWS, OROWS)],
                            out0.at[pl.ds(s * OROWS, OROWS)])

            @pl.when(s == NS - 1)
            def _tail0():
                pltpu.sync_copy(acc.at[pl.ds(NS * OROWS, OTAIL)],
                                out0.at[pl.ds(NS * OROWS, OTAIL)])

        @pl.when(c == 1)
        def _copy_out1():
            pltpu.sync_copy(acc.at[pl.ds(s * OROWS, OROWS)],
                            out1.at[pl.ds(s * OROWS, OROWS)])

            @pl.when(s == NS - 1)
            def _tail1():
                pltpu.sync_copy(acc.at[pl.ds(NS * OROWS, OTAIL)],
                                out1.at[pl.ds(NS * OROWS, OTAIL)])

    return kern(y, edge_index)


_BR = NP
_GRID = 1


def _elu(t):
    return jnp.where(t > 0.0, t, jnp.exp(jnp.minimum(t, 0.0)) - 1.0)


def _tc1(x, W1a_ext):

    def body(x_ref, w_ref, o_ref):
        z = jnp.dot(x_ref[...], w_ref[...],
                    preferred_element_type=jnp.float32)
        z3 = z.reshape(NP, PK, 128)
        lg = lax.broadcasted_iota(jnp.int32, (NP, 128), 1) // H
        o = jnp.where(lg == 0, z3[:, 0, :], z3[:, 1, :])
        for g in range(2, PK):
            o = jnp.where(lg == g, z3[:, g, :], o)
        o_ref[...] = o

    return pl.pallas_call(
        body,
        grid=(_GRID,),
        in_specs=[
            pl.BlockSpec((PK * _BR, F_IN), lambda i: (i, 0)),
            pl.BlockSpec((F_IN, 128), lambda i: (0, 0)),
        ],
        out_specs=pl.BlockSpec((_BR, 128), lambda i: (i, 0)),
        out_shape=jax.ShapeDtypeStruct((NP, 128), jnp.float32),
    )(x, W1a_ext)


def _tc2(y1, p0, p1, b1a, g1, be1, KW1b, b1b, KW2a):

    def body(y_ref, p0_ref, p1_ref, ba_ref, g_ref, be_ref, kwb_ref, bb_ref,
             kwa2_ref, h1_ref, y2_ref):
        t = y_ref[...] + p0_ref[...] + p1_ref[...] + ba_ref[...]
        t = g_ref[...] * (t * BN_SCALE) + be_ref[...]
        t = _elu(t)
        h1 = _elu(jnp.dot(t, kwb_ref[...], preferred_element_type=jnp.float32)
                  + bb_ref[...])
        h1_ref[...] = h1
        y2_ref[...] = jnp.dot(h1, kwa2_ref[...],
                              preferred_element_type=jnp.float32)

    vec = pl.BlockSpec((1, 128), lambda i: (0, 0))
    mat = pl.BlockSpec((128, 128), lambda i: (0, 0))
    row = pl.BlockSpec((_BR, 128), lambda i: (i, 0))
    return pl.pallas_call(
        body,
        grid=(_GRID,),
        in_specs=[row, row, row, vec, vec, vec, mat, vec, mat],
        out_specs=[row, row],
        out_shape=[jax.ShapeDtypeStruct((NP, 128), jnp.float32),
                   jax.ShapeDtypeStruct((NP, 128), jnp.float32)],
    )(y1, p0, p1, b1a, g1, be1, KW1b, b1b, KW2a)


def _tc3(y2, p0, p1, h1, b2a, g2, be2, KW2b, b2b, KWl1h1, KWl1h2, bl1, KWl2,
         bl2):

    def body(y_ref, p0_ref, p1_ref, h1_ref, ba_ref, g_ref, be_ref, kwb_ref,
             bb_ref, kwl1a_ref, kwl1b_ref, bl1_ref, kwl2_ref, bl2_ref, o_ref):
        t = y_ref[...] + p0_ref[...] + p1_ref[...] + ba_ref[...]
        t = g_ref[...] * (t * BN_SCALE) + be_ref[...]
        t = _elu(t)
        h2 = _elu(jnp.dot(t, kwb_ref[...], preferred_element_type=jnp.float32)
                  + bb_ref[...])
        z = (jnp.dot(h1_ref[...], kwl1a_ref[...],
                     preferred_element_type=jnp.float32)
             + jnp.dot(h2, kwl1b_ref[...], preferred_element_type=jnp.float32)
             + bl1_ref[...])
        z = jnp.maximum(z, 0.0)
        o_ref[...] = (jnp.dot(z, kwl2_ref[...],
                              preferred_element_type=jnp.float32)
                      + bl2_ref[...])

    vec = pl.BlockSpec((1, 128), lambda i: (0, 0))
    mat = pl.BlockSpec((128, 128), lambda i: (0, 0))
    row = pl.BlockSpec((_BR, 128), lambda i: (i, 0))
    return pl.pallas_call(
        body,
        grid=(_GRID,),
        in_specs=[row, row, row, row, vec, vec, vec, mat, vec, mat, mat, vec,
                  mat, vec],
        out_specs=row,
        out_shape=jax.ShapeDtypeStruct((NP, 128), jnp.float32),
    )(y2, p0, p1, h1, b2a, g2, be2, KW2b, b2b, KWl1h1, KWl1h2, bl1, KWl2, bl2)


def kernel(x, edge_index, W1a, b1a, g1, be1, W1b, b1b,
           W2a, b2a, g2, be2, W2b, b2b, Wl1, bl1, Wl2, bl2):
    eye8 = jnp.eye(PK, dtype=jnp.float32)
    kr = lambda W: jnp.kron(eye8, W)
    tl = lambda v: jnp.tile(v, PK).reshape(1, 128)

    y1 = _tc1(x, jnp.tile(W1a, (1, PK)))
    p1a, p1b = _segment_sum_sc(y1.reshape(N, H), edge_index)
    h1, y2 = _tc2(y1, p1a.reshape(NP, 128), p1b.reshape(NP, 128),
                  tl(b1a), tl(g1), tl(be1), kr(W1b), tl(b1b), kr(W2a))
    p2a, p2b = _segment_sum_sc(y2.reshape(N, H), edge_index)
    outp = _tc3(y2, p2a.reshape(NP, 128), p2b.reshape(NP, 128), h1,
                tl(b2a), tl(g2), tl(be2), kr(W2b), tl(b2b),
                kr(Wl1[:H]), kr(Wl1[H:]), tl(bl1), kr(Wl2), tl(bl2))
    return outp.reshape(N, H)

# --- scband reference (transcript-rebuilt; emitter-appended) ---
"""Pipeline reference for scband-graph-isomorphism-network-13975823581433 (READ-ONLY COPY).

The authoritative reference and input builder live on the scoring server;
editing this copy changes nothing except your own understanding.
"""

import jax, jax.numpy as jnp
import numpy as np

N = 10000
E = 320000
F_IN = 128
H = 16
C = 16
BN_EPS = 1e-5


def _linear_params(k, fan_in, fan_out):
    k1, k2 = jax.random.split(k)
    lim = 1.0 / np.sqrt(fan_in)
    W = jax.random.uniform(k1, (fan_in, fan_out), jnp.float32, -lim, lim)
    b = jax.random.uniform(k2, (fan_out,), jnp.float32, -lim, lim)
    return W, b


def setup_inputs(seed: int = 0):
    key = jax.random.key(seed)
    ks = jax.random.split(key, 8)
    x = jax.random.normal(ks[0], (N, F_IN), dtype=jnp.float32)
    edge_index = jax.random.randint(ks[1], (2, E), 0, N, dtype=jnp.int32)
    W1a, b1a = _linear_params(ks[2], F_IN, H)
    W1b, b1b = _linear_params(ks[3], H, H)
    W2a, b2a = _linear_params(ks[4], H, H)
    W2b, b2b = _linear_params(ks[5], H, H)
    Wl1, bl1 = _linear_params(ks[6], 2 * H, H)
    Wl2, bl2 = _linear_params(ks[7], H, C)
    g1 = jnp.ones((H,), jnp.float32)
    be1 = jnp.zeros((H,), jnp.float32)
    g2 = jnp.ones((H,), jnp.float32)
    be2 = jnp.zeros((H,), jnp.float32)
    return {"x": x, "edge_index": edge_index,
            "W1a": W1a, "b1a": b1a, "g1": g1, "be1": be1, "W1b": W1b, "b1b": b1b,
            "W2a": W2a, "b2a": b2a, "g2": g2, "be2": be2, "W2b": W2b, "b2b": b2b,
            "Wl1": Wl1, "bl1": bl1, "Wl2": Wl2, "bl2": bl2}


def _gin_conv(x, edge_index, Wa, ba, g, be, Wb, bb):
    # PyG GINConv with eps=0 (train_eps=False): out = nn((1+eps)*x + sum_{j->i} x_j)
    src = edge_index[0]
    dst = edge_index[1]
    agg = jax.ops.segment_sum(x[src], dst, num_segments=N)
    h = x + agg
    # nn: Linear -> BatchNorm1d (eval: running_mean=0, running_var=1) -> ELU -> Linear -> ELU
    h = h @ Wa + ba
    h = g * (h / jnp.sqrt(1.0 + BN_EPS)) + be
    h = jax.nn.elu(h)
    h = h @ Wb + bb
    return jax.nn.elu(h)


def reference(x, edge_index, W1a, b1a, g1, be1, W1b, b1b, W2a, b2a, g2, be2, W2b, b2b, Wl1, bl1, Wl2, bl2):
    h1 = _gin_conv(x, edge_index, W1a, b1a, g1, be1, W1b, b1b)
    h2 = _gin_conv(h1, edge_index, W2a, b2a, g2, be2, W2b, b2b)
    h = jnp.concatenate([h1, h2], axis=1)
    h = jax.nn.relu(h @ Wl1 + bl1)
    # dropout is identity in eval mode
    return h @ Wl2 + bl2

if __name__ == "__main__":
    import jax
    _d = setup_inputs()
    print(jax.jit(kernel)(*tuple(_d.values())))

</pallas_src>

<mosaic_0001>
#map = affine_map<(d0, d1) -> (0, 0)>
module attributes {stable_mosaic.version = 14 : i64} {
  func.func @kern(%arg0: i32, %arg1: i32, %arg2: memref<10000x16xf32, #tpu.memory_space<hbm>>, %arg3: memref<2x320000xi32, #tpu.memory_space<hbm>>, %arg4: memref<10000x16xf32, #tpu.memory_space<hbm>>, %arg5: memref<10000x16xf32, #tpu.memory_space<hbm>>, %arg6: memref<10000xi32, #tpu.memory_space<vmem>>, %arg7: memref<10000xi32, #tpu.memory_space<vmem>>, %arg8: memref<2000x16xf32, #tpu.memory_space<vmem>>, %arg9: memref<2000x16xf32, #tpu.memory_space<vmem>>, %arg10: memref<2000x16xf32, #tpu.memory_space<vmem>>, %arg11: memref<128x16xf32, #tpu.memory_space<vmem>>, %arg12: memref<10240x16xf32, #tpu.memory_space<vmem_shared>>, %arg13: memref<!tpu.dma_semaphore, #tpu.memory_space<semaphore_mem>>, %arg14: memref<!tpu.dma_semaphore, #tpu.memory_space<semaphore_mem>>, %arg15: memref<!tpu.dma_semaphore, #tpu.memory_space<semaphore_mem>>, %arg16: memref<!tpu.dma_semaphore, #tpu.memory_space<semaphore_mem>>, %arg17: memref<!tpu.dma_semaphore, #tpu.memory_space<semaphore_mem>>, %arg18: memref<!tpu.dma_semaphore, #tpu.memory_space<semaphore_mem>>) attributes {dimension_semantics = [#tpu.dimension_semantics<core_parallel>, #tpu.dimension_semantics<subcore_parallel>], iteration_bounds = array<i64: 2, 16>, scalar_prefetch = 0 : i64, scratch_operands = 13 : i64, tpu.core_type = #tpu.core_type<sc_vector_subcore>, window_params = [{transform_indices = #map}, {transform_indices = #map}, {transform_indices = #map}, {transform_indices = #map}]} {
    %mul3A = arith.constant 16 : i32
    %mul3A_0 = arith.muli %arg0, %mul3A : i32
    %add3A = arith.addi %mul3A_0, %arg1 : i32
    %mul3A_1 = arith.constant 10000 : i32
    %mul3A_2 = arith.muli %add3A, %mul3A_1 : i32
    %run_scoped3A = arith.constant 0 : i32
    "tpu.region"() ({
      %run_scoped3A_138 = tpu.sem_alloc : memref<!tpu.dma_semaphore, #tpu.memory_space<semaphore_mem>>
      %dma_start3A_139 = tpu.memref_slice %arg3[%run_scoped3A, %mul3A_2] : memref<2x320000xi32, #tpu.memory_space<hbm>> -> memref<1x10000xi32, #tpu.memory_space<hbm>>
      %dma_start3A_140 = tpu.memref_squeeze %dma_start3A_139 : memref<1x10000xi32, #tpu.memory_space<hbm>> -> memref<10000xi32, #tpu.memory_space<hbm>>
      %dma_start3A_141 = tpu.memref_slice %arg3[%run_scoped3A, %mul3A_2] : memref<2x320000xi32, #tpu.memory_space<hbm>> -> memref<1x10000xi32, #tpu.memory_space<hbm>>
      %dma_start3A_142 = tpu.memref_squeeze %dma_start3A_141 : memref<1x10000xi32, #tpu.memory_space<hbm>> -> memref<10000xi32, #tpu.memory_space<hbm>>
      tpu.enqueue_dma source(%dma_start3A_142 : memref<10000xi32, #tpu.memory_space<hbm>>) target(%arg6 : memref<10000xi32, #tpu.memory_space<vmem>>) target_semaphore(%run_scoped3A_138 : memref<!tpu.dma_semaphore, #tpu.memory_space<semaphore_mem>>)
      %dma_wait3A_143 = tpu.memref_slice %arg3[%run_scoped3A, %mul3A_2] : memref<2x320000xi32, #tpu.memory_space<hbm>> -> memref<1x10000xi32, #tpu.memory_space<hbm>>
      %dma_wait3A_144 = tpu.memref_squeeze %dma_wait3A_143 : memref<1x10000xi32, #tpu.memory_space<hbm>> -> memref<10000xi32, #tpu.memory_space<hbm>>
      %dma_wait3A_145 = tpu.memref_slice %arg3[%run_scoped3A, %mul3A_2] : memref<2x320000xi32, #tpu.memory_space<hbm>> -> memref<1x10000xi32, #tpu.memory_space<hbm>>
      %dma_wait3A_146 = tpu.memref_squeeze %dma_wait3A_145 : memref<1x10000xi32, #tpu.memory_space<hbm>> -> memref<10000xi32, #tpu.memory_space<hbm>>
      tpu.wait_dma2 semaphore(%run_scoped3A_138 : memref<!tpu.dma_semaphore, #tpu.memory_space<semaphore_mem>>) src(%dma_wait3A_146 : memref<10000xi32, #tpu.memory_space<hbm>>) dst(%arg6 : memref<10000xi32, #tpu.memory_space<vmem>>)
      tpu.yield
    }) : () -> ()
    %mul3A_3 = arith.constant 10000 : i32
    %mul3A_4 = arith.muli %add3A, %mul3A_3 : i32
    %run_scoped3A_5 = arith.constant 1 : i32
    "tpu.region"() ({
      %run_scoped3A_138 = tpu.sem_alloc : memref<!tpu.dma_semaphore, #tpu.memory_space<semaphore_mem>>
      %dma_start3A_139 = tpu.memref_slice %arg3[%run_scoped3A_5, %mul3A_4] : memref<2x320000xi32, #tpu.memory_space<hbm>> -> memref<1x10000xi32, #tpu.memory_space<hbm>>
      %dma_start3A_140 = tpu.memref_squeeze %dma_start3A_139 : memref<1x10000xi32, #tpu.memory_space<hbm>> -> memref<10000xi32, #tpu.memory_space<hbm>>
      %dma_start3A_141 = tpu.memref_slice %arg3[%run_scoped3A_5, %mul3A_4] : memref<2x320000xi32, #tpu.memory_space<hbm>> -> memref<1x10000xi32, #tpu.memory_space<hbm>>
      %dma_start3A_142 = tpu.memref_squeeze %dma_start3A_141 : memref<1x10000xi32, #tpu.memory_space<hbm>> -> memref<10000xi32, #tpu.memory_space<hbm>>
      tpu.enqueue_dma source(%dma_start3A_142 : memref<10000xi32, #tpu.memory_space<hbm>>) target(%arg7 : memref<10000xi32, #tpu.memory_space<vmem>>) target_semaphore(%run_scoped3A_138 : memref<!tpu.dma_semaphore, #tpu.memory_space<semaphore_mem>>)
      %dma_wait3A_143 = tpu.memref_slice %arg3[%run_scoped3A_5, %mul3A_4] : memref<2x320000xi32, #tpu.memory_space<hbm>> -> memref<1x10000xi32, #tpu.memory_space<hbm>>
      %dma_wait3A_144 = tpu.memref_squeeze %dma_wait3A_143 : memref<1x10000xi32, #tpu.memory_space<hbm>> -> memref<10000xi32, #tpu.memory_space<hbm>>
      %dma_wait3A_145 = tpu.memref_slice %arg3[%run_scoped3A_5, %mul3A_4] : memref<2x320000xi32, #tpu.memory_space<hbm>> -> memref<1x10000xi32, #tpu.memory_space<hbm>>
      %dma_wait3A_146 = tpu.memref_squeeze %dma_wait3A_145 : memref<1x10000xi32, #tpu.memory_space<hbm>> -> memref<10000xi32, #tpu.memory_space<hbm>>
      tpu.wait_dma2 semaphore(%run_scoped3A_138 : memref<!tpu.dma_semaphore, #tpu.memory_space<semaphore_mem>>) src(%dma_wait3A_146 : memref<10000xi32, #tpu.memory_space<hbm>>) dst(%arg7 : memref<10000xi32, #tpu.memory_space<vmem>>)
      tpu.yield
    }) : () -> ()
    %broadcast_in_dim3A = arith.constant 0.000000e+00 : f32
    %broadcast_in_dim3A_6 = vector.broadcast %broadcast_in_dim3A : f32 to vector<16xf32>
    %scan3A = arith.constant 0 : i32
    %scan3A_7 = arith.constant 0 : i32
    %scan3A_8 = arith.constant 128 : i32
    %scan3A_9 = arith.addi %scan3A_7, %scan3A_8 : i32
    %scan3A_10 = arith.constant 1 : i32
    scf.for %scan3A_138 = %scan3A_7 to %scan3A_9 step %scan3A_10  : i32 {
      %swap3A = arith.index_cast %scan3A_138 : i32 to index
      %swap3A_139 = arith.constant 0 : index
      %swap3A_140 = tpu.vector_load %arg11[%swap3A, %swap3A_139] {strides = array<i32>} : memref<128x16xf32, #tpu.memory_space<vmem>>, vector<1x16xf32>,
      %swap3A_141 = vector.shape_cast %swap3A_140 : vector<1x16xf32> to vector<16xf32>
      %swap3A_142 = vector.shape_cast %broadcast_in_dim3A_6 : vector<16xf32> to vector<1x16xf32>
      tpu.vector_store %arg11[%swap3A, %swap3A_139], %swap3A_142 {strides = array<i32>} : memref<128x16xf32, #tpu.memory_space<vmem>>, vector<1x16xf32>,
    }
    %scan3A_11 = arith.constant 128 : i32
    %mul3A_12 = arith.constant 640 : i32
    %mul3A_13 = arith.muli %arg1, %mul3A_12 : i32
    %add3A_14 = arith.constant 0 : i32
    %add3A_15 = arith.addi %mul3A_13, %add3A_14 : i32
    "tpu.region"() ({
      %run_scoped3A_138 = tpu.sem_alloc : memref<!tpu.dma_semaphore, #tpu.memory_space<semaphore_mem>>
      %dma_start3A_139 = arith.constant 0 : i32
      %dma_start3A_140 = tpu.memref_slice %arg12[%add3A_15, %dma_start3A_139] : memref<10240x16xf32, #tpu.memory_space<vmem_shared>> -> memref<128x16xf32, #tpu.memory_space<vmem_shared>>
      %dma_start3A_141 = arith.constant 0 : i32
      %dma_start3A_142 = tpu.memref_slice %arg12[%add3A_15, %dma_start3A_141] : memref<10240x16xf32, #tpu.memory_space<vmem_shared>> -> memref<128x16xf32, #tpu.memory_space<vmem_shared>>
      tpu.enqueue_dma source(%arg11 : memref<128x16xf32, #tpu.memory_space<vmem>>) target(%dma_start3A_142 : memref<128x16xf32, #tpu.memory_space<vmem_shared>>) target_semaphore(%run_scoped3A_138 : memref<!tpu.dma_semaphore, #tpu.memory_space<semaphore_mem>>)
      %dma_wait3A_143 = arith.constant 0 : i32
      %dma_wait3A_144 = tpu.memref_slice %arg12[%add3A_15, %dma_wait3A_143] : memref<10240x16xf32, #tpu.memory_space<vmem_shared>> -> memref<128x16xf32, #tpu.memory_space<vmem_shared>>
      %dma_wait3A_145 = arith.constant 0 : i32
      %dma_wait3A_146 = tpu.memref_slice %arg12[%add3A_15, %dma_wait3A_145] : memref<10240x16xf32, #tpu.memory_space<vmem_shared>> -> memref<128x16xf32, #tpu.memory_space<vmem_shared>>
      tpu.wait_dma2 semaphore(%run_scoped3A_138 : memref<!tpu.dma_semaphore, #tpu.memory_space<semaphore_mem>>) src(%arg11 : memref<128x16xf32, #tpu.memory_space<vmem>>) dst(%dma_wait3A_146 : memref<128x16xf32, #tpu.memory_space<vmem_shared>>)
      tpu.yield
    }) : () -> ()
    %mul3A_16 = arith.constant 640 : i32
    %mul3A_17 = arith.muli %arg1, %mul3A_16 : i32
    %add3A_18 = arith.constant 128 : i32
    %add3A_19 = arith.addi %mul3A_17, %add3A_18 : i32
    "tpu.region"() ({
      %run_scoped3A_138 = tpu.sem_alloc : memref<!tpu.dma_semaphore, #tpu.memory_space<semaphore_mem>>
      %dma_start3A_139 = arith.constant 0 : i32
      %dma_start3A_140 = tpu.memref_slice %arg12[%add3A_19, %dma_start3A_139] : memref<10240x16xf32, #tpu.memory_space<vmem_shared>> -> memref<128x16xf32, #tpu.memory_space<vmem_shared>>
      %dma_start3A_141 = arith.constant 0 : i32
      %dma_start3A_142 = tpu.memref_slice %arg12[%add3A_19, %dma_start3A_141] : memref<10240x16xf32, #tpu.memory_space<vmem_shared>> -> memref<128x16xf32, #tpu.memory_space<vmem_shared>>
      tpu.enqueue_dma source(%arg11 : memref<128x16xf32, #tpu.memory_space<vmem>>) target(%dma_start3A_142 : memref<128x16xf32, #tpu.memory_space<vmem_shared>>) target_semaphore(%run_scoped3A_138 : memref<!tpu.dma_semaphore, #tpu.memory_space<semaphore_mem>>)
      %dma_wait3A_143 = arith.constant 0 : i32
      %dma_wait3A_144 = tpu.memref_slice %arg12[%add3A_19, %dma_wait3A_143] : memref<10240x16xf32, #tpu.memory_space<vmem_shared>> -> memref<128x16xf32, #tpu.memory_space<vmem_shared>>
      %dma_wait3A_145 = arith.constant 0 : i32
      %dma_wait3A_146 = tpu.memref_slice %arg12[%add3A_19, %dma_wait3A_145] : memref<10240x16xf32, #tpu.memory_space<vmem_shared>> -> memref<128x16xf32, #tpu.memory_space<vmem_shared>>
      tpu.wait_dma2 semaphore(%run_scoped3A_138 : memref<!tpu.dma_semaphore, #tpu.memory_space<semaphore_mem>>) src(%arg11 : memref<128x16xf32, #tpu.memory_space<vmem>>) dst(%dma_wait3A_146 : memref<128x16xf32, #tpu.memory_space<vmem_shared>>)
      tpu.yield
    }) : () -> ()
    %mul3A_20 = arith.constant 640 : i32
    %mul3A_21 = arith.muli %arg1, %mul3A_20 : i32
    %add3A_22 = arith.constant 256 : i32
    %add3A_23 = arith.addi %mul3A_21, %add3A_22 : i32
    "tpu.region"() ({
      %run_scoped3A_138 = tpu.sem_alloc : memref<!tpu.dma_semaphore, #tpu.memory_space<semaphore_mem>>
      %dma_start3A_139 = arith.constant 0 : i32
      %dma_start3A_140 = tpu.memref_slice %arg12[%add3A_23, %dma_start3A_139] : memref<10240x16xf32, #tpu.memory_space<vmem_shared>> -> memref<128x16xf32, #tpu.memory_space<vmem_shared>>
      %dma_start3A_141 = arith.constant 0 : i32
      %dma_start3A_142 = tpu.memref_slice %arg12[%add3A_23, %dma_start3A_141] : memref<10240x16xf32, #tpu.memory_space<vmem_shared>> -> memref<128x16xf32, #tpu.memory_space<vmem_shared>>
      tpu.enqueue_dma source(%arg11 : memref<128x16xf32, #tpu.memory_space<vmem>>) target(%dma_start3A_142 : memref<128x16xf32, #tpu.memory_space<vmem_shared>>) target_semaphore(%run_scoped3A_138 : memref<!tpu.dma_semaphore, #tpu.memory_space<semaphore_mem>>)
      %dma_wait3A_143 = arith.constant 0 : i32
      %dma_wait3A_144 = tpu.memref_slice %arg12[%add3A_23, %dma_wait3A_143] : memref<10240x16xf32, #tpu.memory_space<vmem_shared>> -> memref<128x16xf32, #tpu.memory_space<vmem_shared>>
      %dma_wait3A_145 = arith.constant 0 : i32
      %dma_wait3A_146 = tpu.memref_slice %arg12[%add3A_23, %dma_wait3A_145] : memref<10240x16xf32, #tpu.memory_space<vmem_shared>> -> memref<128x16xf32, #tpu.memory_space<vmem_shared>>
      tpu.wait_dma2 semaphore(%run_scoped3A_138 : memref<!tpu.dma_semaphore, #tpu.memory_space<semaphore_mem>>) src(%arg11 : memref<128x16xf32, #tpu.memory_space<vmem>>) dst(%dma_wait3A_146 : memref<128x16xf32, #tpu.memory_space<vmem_shared>>)
      tpu.yield
    }) : () -> ()
    %mul3A_24 = arith.constant 640 : i32
    %mul3A_25 = arith.muli %arg1, %mul3A_24 : i32
    %add3A_26 = arith.constant 384 : i32
    %add3A_27 = arith.addi %mul3A_25, %add3A_26 : i32
    "tpu.region"() ({
      %run_scoped3A_138 = tpu.sem_alloc : memref<!tpu.dma_semaphore, #tpu.memory_space<semaphore_mem>>
      %dma_start3A_139 = arith.constant 0 : i32
      %dma_start3A_140 = tpu.memref_slice %arg12[%add3A_27, %dma_start3A_139] : memref<10240x16xf32, #tpu.memory_space<vmem_shared>> -> memref<128x16xf32, #tpu.memory_space<vmem_shared>>
      %dma_start3A_141 = arith.constant 0 : i32
      %dma_start3A_142 = tpu.memref_slice %arg12[%add3A_27, %dma_start3A_141] : memref<10240x16xf32, #tpu.memory_space<vmem_shared>> -> memref<128x16xf32, #tpu.memory_space<vmem_shared>>
      tpu.enqueue_dma source(%arg11 : memref<128x16xf32, #tpu.memory_space<vmem>>) target(%dma_start3A_142 : memref<128x16xf32, #tpu.memory_space<vmem_shared>>) target_semaphore(%run_scoped3A_138 : memref<!tpu.dma_semaphore, #tpu.memory_space<semaphore_mem>>)
      %dma_wait3A_143 = arith.constant 0 : i32
      %dma_wait3A_144 = tpu.memref_slice %arg12[%add3A_27, %dma_wait3A_143] : memref<10240x16xf32, #tpu.memory_space<vmem_shared>> -> memref<128x16xf32, #tpu.memory_space<vmem_shared>>
      %dma_wait3A_145 = arith.constant 0 : i32
      %dma_wait3A_146 = tpu.memref_slice %arg12[%add3A_27, %dma_wait3A_145] : memref<10240x16xf32, #tpu.memory_space<vmem_shared>> -> memref<128x16xf32, #tpu.memory_space<vmem_shared>>
      tpu.wait_dma2 semaphore(%run_scoped3A_138 : memref<!tpu.dma_semaphore, #tpu.memory_space<semaphore_mem>>) src(%arg11 : memref<128x16xf32, #tpu.memory_space<vmem>>) dst(%dma_wait3A_146 : memref<128x16xf32, #tpu.memory_space<vmem_shared>>)
      tpu.yield
    }) : () -> ()
    %mul3A_28 = arith.constant 640 : i32
    %mul3A_29 = arith.muli %arg1, %mul3A_28 : i32
    %add3A_30 = arith.constant 512 : i32
    %add3A_31 = arith.addi %mul3A_29, %add3A_30 : i32
    "tpu.region"() ({
      %run_scoped3A_138 = tpu.sem_alloc : memref<!tpu.dma_semaphore, #tpu.memory_space<semaphore_mem>>
      %dma_start3A_139 = arith.constant 0 : i32
      %dma_start3A_140 = tpu.memref_slice %arg12[%add3A_31, %dma_start3A_139] : memref<10240x16xf32, #tpu.memory_space<vmem_shared>> -> memref<128x16xf32, #tpu.memory_space<vmem_shared>>
      %dma_start3A_141 = arith.constant 0 : i32
      %dma_start3A_142 = tpu.memref_slice %arg12[%add3A_31, %dma_start3A_141] : memref<10240x16xf32, #tpu.memory_space<vmem_shared>> -> memref<128x16xf32, #tpu.memory_space<vmem_shared>>
      tpu.enqueue_dma source(%arg11 : memref<128x16xf32, #tpu.memory_space<vmem>>) target(%dma_start3A_142 : memref<128x16xf32, #tpu.memory_space<vmem_shared>>) target_semaphore(%run_scoped3A_138 : memref<!tpu.dma_semaphore, #tpu.memory_space<semaphore_mem>>)
      %dma_wait3A_143 = arith.constant 0 : i32
      %dma_wait3A_144 = tpu.memref_slice %arg12[%add3A_31, %dma_wait3A_143] : memref<10240x16xf32, #tpu.memory_space<vmem_shared>> -> memref<128x16xf32, #tpu.memory_space<vmem_shared>>
      %dma_wait3A_145 = arith.constant 0 : i32
      %dma_wait3A_146 = tpu.memref_slice %arg12[%add3A_31, %dma_wait3A_145] : memref<10240x16xf32, #tpu.memory_space<vmem_shared>> -> memref<128x16xf32, #tpu.memory_space<vmem_shared>>
      tpu.wait_dma2 semaphore(%run_scoped3A_138 : memref<!tpu.dma_semaphore, #tpu.memory_space<semaphore_mem>>) src(%arg11 : memref<128x16xf32, #tpu.memory_space<vmem>>) dst(%dma_wait3A_146 : memref<128x16xf32, #tpu.memory_space<vmem_shared>>)
      tpu.yield
    }) : () -> ()
    %barrier3A = arith.constant 0 : index
    tpu.barrier barrier_id(%barrier3A)
    %dma_start3A = arith.constant 0 : i32
    %dma_start3A_32 = tpu.memref_slice %arg6[%dma_start3A] : memref<10000xi32, #tpu.memory_space<vmem>> -> memref<2000xi32, #tpu.memory_space<vmem>>
    %dma_start3A_33 = arith.constant 0 : i32
    %dma_start3A_34 = arith.constant 0 : i32
    %dma_start3A_35 = tpu.memref_slice %arg2[%dma_start3A_33, %dma_start3A_34] : memref<10000x16xf32, #tpu.memory_space<hbm>> -> memref<10000x16xf32, #tpu.memory_space<hbm>>
    tpu.enqueue_indirect_dma source(%dma_start3A_35 : memref<10000x16xf32, #tpu.memory_space<hbm>>) target(%arg8 : memref<2000x16xf32, #tpu.memory_space<vmem>>) offsets(%dma_start3A_32 : memref<2000xi32, #tpu.memory_space<vmem>>) semaphore(%arg13 : memref<!tpu.dma_semaphore, #tpu.memory_space<semaphore_mem>>)
    %dma_start3A_36 = arith.constant 2000 : i32
    %dma_start3A_37 = tpu.memref_slice %arg6[%dma_start3A_36] : memref<10000xi32, #tpu.memory_space<vmem>> -> memref<2000xi32, #tpu.memory_space<vmem>>
    %dma_start3A_38 = arith.constant 0 : i32
    %dma_start3A_39 = arith.constant 0 : i32
    %dma_start3A_40 = tpu.memref_slice %arg2[%dma_start3A_38, %dma_start3A_39] : memref<10000x16xf32, #tpu.memory_space<hbm>> -> memref<10000x16xf32, #tpu.memory_space<hbm>>
    tpu.enqueue_indirect_dma source(%dma_start3A_40 : memref<10000x16xf32, #tpu.memory_space<hbm>>) target(%arg9 : memref<2000x16xf32, #tpu.memory_space<vmem>>) offsets(%dma_start3A_37 : memref<2000xi32, #tpu.memory_space<vmem>>) semaphore(%arg14 : memref<!tpu.dma_semaphore, #tpu.memory_space<semaphore_mem>>)
    %dma_wait3A = arith.constant 0 : i32
    %dma_wait3A_41 = tpu.memref_slice %arg6[%dma_wait3A] : memref<10000xi32, #tpu.memory_space<vmem>> -> memref<2000xi32, #tpu.memory_space<vmem>>
    %dma_wait3A_42 = arith.constant 0 : i32
    %dma_wait3A_43 = arith.constant 0 : i32
    %dma_wait3A_44 = tpu.memref_slice %arg2[%dma_wait3A_42, %dma_wait3A_43] : memref<10000x16xf32, #tpu.memory_space<hbm>> -> memref<10000x16xf32, #tpu.memory_space<hbm>>
    tpu.wait_indirect_dma semaphore(%arg13 : memref<!tpu.dma_semaphore, #tpu.memory_space<semaphore_mem>>) src(%dma_wait3A_44 : memref<10000x16xf32, #tpu.memory_space<hbm>>) dst(%arg8 : memref<2000x16xf32, #tpu.memory_space<vmem>>)
    %dma_start3A_45 = arith.constant 0 : i32
    %dma_start3A_46 = tpu.memref_slice %arg7[%dma_start3A_45] : memref<10000xi32, #tpu.memory_space<vmem>> -> memref<2000xi32, #tpu.memory_space<vmem>>
    %dma_start3A_47 = arith.constant 0 : i32
    %dma_start3A_48 = arith.constant 0 : i32
    %dma_start3A_49 = tpu.memref_slice %arg12[%dma_start3A_47, %dma_start3A_48] : memref<10240x16xf32, #tpu.memory_space<vmem_shared>> -> memref<10240x16xf32, #tpu.memory_space<vmem_shared>>
    tpu.enqueue_indirect_dma source(%arg8 : memref<2000x16xf32, #tpu.memory_space<vmem>>) target(%dma_start3A_49 : memref<10240x16xf32, #tpu.memory_space<vmem_shared>>) offsets(%dma_start3A_46 : memref<2000xi32, #tpu.memory_space<vmem>>) semaphore(%arg16 : memref<!tpu.dma_semaphore, #tpu.memory_space<semaphore_mem>>) {add = true}
    %dma_start3A_50 = arith.constant 4000 : i32
    %dma_start3A_51 = tpu.memref_slice %arg6[%dma_start3A_50] : memref<10000xi32, #tpu.memory_space<vmem>> -> memref<2000xi32, #tpu.memory_space<vmem>>
    %dma_start3A_52 = arith.constant 0 : i32
    %dma_start3A_53 = arith.constant 0 : i32
    %dma_start3A_54 = tpu.memref_slice %arg2[%dma_start3A_52, %dma_start3A_53] : memref<10000x16xf32, #tpu.memory_space<hbm>> -> memref<10000x16xf32, #tpu.memory_space<hbm>>
    tpu.enqueue_indirect_dma source(%dma_start3A_54 : memref<10000x16xf32, #tpu.memory_space<hbm>>) target(%arg10 : memref<2000x16xf32, #tpu.memory_space<vmem>>) offsets(%dma_start3A_51 : memref<2000xi32, #tpu.memory_space<vmem>>) semaphore(%arg15 : memref<!tpu.dma_semaphore, #tpu.memory_space<semaphore_mem>>)
    %dma_wait3A_55 = arith.constant 2000 : i32
    %dma_wait3A_56 = tpu.memref_slice %arg6[%dma_wait3A_55] : memref<10000xi32, #tpu.memory_space<vmem>> -> memref<2000xi32, #tpu.memory_space<vmem>>
    %dma_wait3A_57 = arith.constant 0 : i32
    %dma_wait3A_58 = arith.constant 0 : i32
    %dma_wait3A_59 = tpu.memref_slice %arg2[%dma_wait3A_57, %dma_wait3A_58] : memref<10000x16xf32, #tpu.memory_space<hbm>> -> memref<10000x16xf32, #tpu.memory_space<hbm>>
    tpu.wait_indirect_dma semaphore(%arg14 : memref<!tpu.dma_semaphore, #tpu.memory_space<semaphore_mem>>) src(%dma_wait3A_59 : memref<10000x16xf32, #tpu.memory_space<hbm>>) dst(%arg9 : memref<2000x16xf32, #tpu.memory_space<vmem>>)
    %dma_start3A_60 = arith.constant 2000 : i32
    %dma_start3A_61 = tpu.memref_slice %arg7[%dma_start3A_60] : memref<10000xi32, #tpu.memory_space<vmem>> -> memref<2000xi32, #tpu.memory_space<vmem>>
    %dma_start3A_62 = arith.constant 0 : i32
    %dma_start3A_63 = arith.constant 0 : i32
    %dma_start3A_64 = tpu.memref_slice %arg12[%dma_start3A_62, %dma_start3A_63] : memref<10240x16xf32, #tpu.memory_space<vmem_shared>> -> memref<10240x16xf32, #tpu.memory_space<vmem_shared>>
    tpu.enqueue_indirect_dma source(%arg9 : memref<2000x16xf32, #tpu.memory_space<vmem>>) target(%dma_start3A_64 : memref<10240x16xf32, #tpu.memory_space<vmem_shared>>) offsets(%dma_start3A_61 : memref<2000xi32, #tpu.memory_space<vmem>>) semaphore(%arg17 : memref<!tpu.dma_semaphore, #tpu.memory_space<semaphore_mem>>) {add = true}
    %dma_wait3A_65 = arith.constant 0 : i32
    %dma_wait3A_66 = tpu.memref_slice %arg7[%dma_wait3A_65] : memref<10000xi32, #tpu.memory_space<vmem>> -> memref<2000xi32, #tpu.memory_space<vmem>>
    %dma_wait3A_67 = arith.constant 0 : i32
    %dma_wait3A_68 = arith.constant 0 : i32
    %dma_wait3A_69 = tpu.memref_slice %arg12[%dma_wait3A_67, %dma_wait3A_68] : memref<10240x16xf32, #tpu.memory_space<vmem_shared>> -> memref<10240x16xf32, #tpu.memory_space<vmem_shared>>
    tpu.wait_indirect_dma semaphore(%arg16 : memref<!tpu.dma_semaphore, #tpu.memory_space<semaphore_mem>>) src(%arg8 : memref<2000x16xf32, #tpu.memory_space<vmem>>) dst(%dma_wait3A_69 : memref<10240x16xf32, #tpu.memory_space<vmem_shared>>)
    %dma_start3A_70 = arith.constant 6000 : i32
    %dma_start3A_71 = tpu.memref_slice %arg6[%dma_start3A_70] : memref<10000xi32, #tpu.memory_space<vmem>> -> memref<2000xi32, #tpu.memory_space<vmem>>
    %dma_start3A_72 = arith.constant 0 : i32
    %dma_start3A_73 = arith.constant 0 : i32
    %dma_start3A_74 = tpu.memref_slice %arg2[%dma_start3A_72, %dma_start3A_73] : memref<10000x16xf32, #tpu.memory_space<hbm>> -> memref<10000x16xf32, #tpu.memory_space<hbm>>
    tpu.enqueue_indirect_dma source(%dma_start3A_74 : memref<10000x16xf32, #tpu.memory_space<hbm>>) target(%arg8 : memref<2000x16xf32, #tpu.memory_space<vmem>>) offsets(%dma_start3A_71 : memref<2000xi32, #tpu.memory_space<vmem>>) semaphore(%arg13 : memref<!tpu.dma_semaphore, #tpu.memory_space<semaphore_mem>>)
    %dma_wait3A_75 = arith.constant 4000 : i32
    %dma_wait3A_76 = tpu.memref_slice %arg6[%dma_wait3A_75] : memref<10000xi32, #tpu.memory_space<vmem>> -> memref<2000xi32, #tpu.memory_space<vmem>>
    %dma_wait3A_77 = arith.constant 0 : i32
    %dma_wait3A_78 = arith.constant 0 : i32
    %dma_wait3A_79 = tpu.memref_slice %arg2[%dma_wait3A_77, %dma_wait3A_78] : memref<10000x16xf32, #tpu.memory_space<hbm>> -> memref<10000x16xf32, #tpu.memory_space<hbm>>
    tpu.wait_indirect_dma semaphore(%arg15 : memref<!tpu.dma_semaphore, #tpu.memory_space<semaphore_mem>>) src(%dma_wait3A_79 : memref<10000x16xf32, #tpu.memory_space<hbm>>) dst(%arg10 : memref<2000x16xf32, #tpu.memory_space<vmem>>)
    %dma_start3A_80 = arith.constant 4000 : i32
    %dma_start3A_81 = tpu.memref_slice %arg7[%dma_start3A_80] : memref<10000xi32, #tpu.memory_space<vmem>> -> memref<2000xi32, #tpu.memory_space<vmem>>
    %dma_start3A_82 = arith.constant 0 : i32
    %dma_start3A_83 = arith.constant 0 : i32
    %dma_start3A_84 = tpu.memref_slice %arg12[%dma_start3A_82, %dma_start3A_83] : memref<10240x16xf32, #tpu.memory_space<vmem_shared>> -> memref<10240x16xf32, #tpu.memory_space<vmem_shared>>
    tpu.enqueue_indirect_dma source(%arg10 : memref<2000x16xf32, #tpu.memory_space<vmem>>) target(%dma_start3A_84 : memref<10240x16xf32, #tpu.memory_space<vmem_shared>>) offsets(%dma_start3A_81 : memref<2000xi32, #tpu.memory_space<vmem>>) semaphore(%arg18 : memref<!tpu.dma_semaphore, #tpu.memory_space<semaphore_mem>>) {add = true}
    %dma_wait3A_85 = arith.constant 2000 : i32
    %dma_wait3A_86 = tpu.memref_slice %arg7[%dma_wait3A_85] : memref<10000xi32, #tpu.memory_space<vmem>> -> memref<2000xi32, #tpu.memory_space<vmem>>
    %dma_wait3A_87 = arith.constant 0 : i32
    %dma_wait3A_88 = arith.constant 0 : i32
    %dma_wait3A_89 = tpu.memref_slice %arg12[%dma_wait3A_87, %dma_wait3A_88] : memref<10240x16xf32, #tpu.memory_space<vmem_shared>> -> memref<10240x16xf32, #tpu.memory_space<vmem_shared>>
    tpu.wait_indirect_dma semaphore(%arg17 : memref<!tpu.dma_semaphore, #tpu.memory_space<semaphore_mem>>) src(%arg9 : memref<2000x16xf32, #tpu.memory_space<vmem>>) dst(%dma_wait3A_89 : memref<10240x16xf32, #tpu.memory_space<vmem_shared>>)
    %dma_start3A_90 = arith.constant 8000 : i32
    %dma_start3A_91 = tpu.memref_slice %arg6[%dma_start3A_90] : memref<10000xi32, #tpu.memory_space<vmem>> -> memref<2000xi32, #tpu.memory_space<vmem>>
    %dma_start3A_92 = arith.constant 0 : i32
    %dma_start3A_93 = arith.constant 0 : i32
    %dma_start3A_94 = tpu.memref_slice %arg2[%dma_start3A_92, %dma_start3A_93] : memref<10000x16xf32, #tpu.memory_space<hbm>> -> memref<10000x16xf32, #tpu.memory_space<hbm>>
    tpu.enqueue_indirect_dma source(%dma_start3A_94 : memref<10000x16xf32, #tpu.memory_space<hbm>>) target(%arg9 : memref<2000x16xf32, #tpu.memory_space<vmem>>) offsets(%dma_start3A_91 : memref<2000xi32, #tpu.memory_space<vmem>>) semaphore(%arg14 : memref<!tpu.dma_semaphore, #tpu.memory_space<semaphore_mem>>)
    %dma_wait3A_95 = arith.constant 6000 : i32
    %dma_wait3A_96 = tpu.memref_slice %arg6[%dma_wait3A_95] : memref<10000xi32, #tpu.memory_space<vmem>> -> memref<2000xi32, #tpu.memory_space<vmem>>
    %dma_wait3A_97 = arith.constant 0 : i32
    %dma_wait3A_98 = arith.constant 0 : i32
    %dma_wait3A_99 = tpu.memref_slice %arg2[%dma_wait3A_97, %dma_wait3A_98] : memref<10000x16xf32, #tpu.memory_space<hbm>> -> memref<10000x16xf32, #tpu.memory_space<hbm>>
    tpu.wait_indirect_dma semaphore(%arg13 : memref<!tpu.dma_semaphore, #tpu.memory_space<semaphore_mem>>) src(%dma_wait3A_99 : memref<10000x16xf32, #tpu.memory_space<hbm>>) dst(%arg8 : memref<2000x16xf32, #tpu.memory_space<vmem>>)
    %dma_start3A_100 = arith.constant 6000 : i32
    %dma_start3A_101 = tpu.memref_slice %arg7[%dma_start3A_100] : memref<10000xi32, #tpu.memory_space<vmem>> -> memref<2000xi32, #tpu.memory_space<vmem>>
    %dma_start3A_102 = arith.constant 0 : i32
    %dma_start3A_103 = arith.constant 0 : i32
    %dma_start3A_104 = tpu.memref_slice %arg12[%dma_start3A_102, %dma_start3A_103] : memref<10240x16xf32, #tpu.memory_space<vmem_shared>> -> memref<10240x16xf32, #tpu.memory_space<vmem_shared>>
    tpu.enqueue_indirect_dma source(%arg8 : memref<2000x16xf32, #tpu.memory_space<vmem>>) target(%dma_start3A_104 : memref<10240x16xf32, #tpu.memory_space<vmem_shared>>) offsets(%dma_start3A_101 : memref<2000xi32, #tpu.memory_space<vmem>>) semaphore(%arg16 : memref<!tpu.dma_semaphore, #tpu.memory_space<semaphore_mem>>) {add = true}
    %dma_wait3A_105 = arith.constant 4000 : i32
    %dma_wait3A_106 = tpu.memref_slice %arg7[%dma_wait3A_105] : memref<10000xi32, #tpu.memory_space<vmem>> -> memref<2000xi32, #tpu.memory_space<vmem>>
    %dma_wait3A_107 = arith.constant 0 : i32
    %dma_wait3A_108 = arith.constant 0 : i32
    %dma_wait3A_109 = tpu.memref_slice %arg12[%dma_wait3A_107, %dma_wait3A_108] : memref<10240x16xf32, #tpu.memory_space<vmem_shared>> -> memref<10240x16xf32, #tpu.memory_space<vmem_shared>>
    tpu.wait_indirect_dma semaphore(%arg18 : memref<!tpu.dma_semaphore, #tpu.memory_space<semaphore_mem>>) src(%arg10 : memref<2000x16xf32, #tpu.memory_space<vmem>>) dst(%dma_wait3A_109 : memref<10240x16xf32, #tpu.memory_space<vmem_shared>>)
    %dma_wait3A_110 = arith.constant 8000 : i32
    %dma_wait3A_111 = tpu.memref_slice %arg6[%dma_wait3A_110] : memref<10000xi32, #tpu.memory_space<vmem>> -> memref<2000xi32, #tpu.memory_space<vmem>>
    %dma_wait3A_112 = arith.constant 0 : i32
    %dma_wait3A_113 = arith.constant 0 : i32
    %dma_wait3A_114 = tpu.memref_slice %arg2[%dma_wait3A_112, %dma_wait3A_113] : memref<10000x16xf32, #tpu.memory_space<hbm>> -> memref<10000x16xf32, #tpu.memory_space<hbm>>
    tpu.wait_indirect_dma semaphore(%arg14 : memref<!tpu.dma_semaphore, #tpu.memory_space<semaphore_mem>>) src(%dma_wait3A_114 : memref<10000x16xf32, #tpu.memory_space<hbm>>) dst(%arg9 : memref<2000x16xf32, #tpu.memory_space<vmem>>)
    %dma_start3A_115 = arith.constant 8000 : i32
    %dma_start3A_116 = tpu.memref_slice %arg7[%dma_start3A_115] : memref<10000xi32, #tpu.memory_space<vmem>> -> memref<2000xi32, #tpu.memory_space<vmem>>
    %dma_start3A_117 = arith.constant 0 : i32
    %dma_start3A_118 = arith.constant 0 : i32
    %dma_start3A_119 = tpu.memref_slice %arg12[%dma_start3A_117, %dma_start3A_118] : memref<10240x16xf32, #tpu.memory_space<vmem_shared>> -> memref<10240x16xf32, #tpu.memory_space<vmem_shared>>
    tpu.enqueue_indirect_dma source(%arg9 : memref<2000x16xf32, #tpu.memory_space<vmem>>) target(%dma_start3A_119 : memref<10240x16xf32, #tpu.memory_space<vmem_shared>>) offsets(%dma_start3A_116 : memref<2000xi32, #tpu.memory_space<vmem>>) semaphore(%arg17 : memref<!tpu.dma_semaphore, #tpu.memory_space<semaphore_mem>>) {add = true}
    %dma_wait3A_120 = arith.constant 6000 : i32
    %dma_wait3A_121 = tpu.memref_slice %arg7[%dma_wait3A_120] : memref<10000xi32, #tpu.memory_space<vmem>> -> memref<2000xi32, #tpu.memory_space<vmem>>
    %dma_wait3A_122 = arith.constant 0 : i32
    %dma_wait3A_123 = arith.constant 0 : i32
    %dma_wait3A_124 = tpu.memref_slice %arg12[%dma_wait3A_122, %dma_wait3A_123] : memref<10240x16xf32, #tpu.memory_space<vmem_shared>> -> memref<10240x16xf32, #tpu.memory_space<vmem_shared>>
    tpu.wait_indirect_dma semaphore(%arg16 : memref<!tpu.dma_semaphore, #tpu.memory_space<semaphore_mem>>) src(%arg8 : memref<2000x16xf32, #tpu.memory_space<vmem>>) dst(%dma_wait3A_124 : memref<10240x16xf32, #tpu.memory_space<vmem_shared>>)
    %dma_wait3A_125 = arith.constant 8000 : i32
    %dma_wait3A_126 = tpu.memref_slice %arg7[%dma_wait3A_125] : memref<10000xi32, #tpu.memory_space<vmem>> -> memref<2000xi32, #tpu.memory_space<vmem>>
    %dma_wait3A_127 = arith.constant 0 : i32
    %dma_wait3A_128 = arith.constant 0 : i32
    %dma_wait3A_129 = tpu.memref_slice %arg12[%dma_wait3A_127, %dma_wait3A_128] : memref<10240x16xf32, #tpu.memory_space<vmem_shared>> -> memref<10240x16xf32, #tpu.memory_space<vmem_shared>>
    tpu.wait_indirect_dma semaphore(%arg17 : memref<!tpu.dma_semaphore, #tpu.memory_space<semaphore_mem>>) src(%arg9 : memref<2000x16xf32, #tpu.memory_space<vmem>>) dst(%dma_wait3A_129 : memref<10240x16xf32, #tpu.memory_space<vmem_shared>>)
    %barrier3A_130 = arith.constant 0 : index
    tpu.barrier barrier_id(%barrier3A_130)
    %eq3A = arith.constant 0 : i32
    %eq3A_131 = arith.cmpi eq, %arg0, %eq3A : i32
    %convert_element_type3A = arith.extui %eq3A_131 : i1 to i32
    %cond3A = arith.constant 0 : i32
    %cond3A_132 = arith.cmpi ne, %convert_element_type3A, %cond3A : i32
    scf.if %cond3A_132 {
      %mul3A_138 = arith.constant 624 : i32
      %mul3A_139 = arith.muli %arg1, %mul3A_138 : i32
      %mul3A_140 = arith.constant 624 : i32
      %mul3A_141 = arith.muli %arg1, %mul3A_140 : i32
      "tpu.region"() ({
        %run_scoped3A_147 = tpu.sem_alloc : memref<!tpu.dma_semaphore, #tpu.memory_space<semaphore_mem>>
        %dma_start3A_148 = arith.constant 0 : i32
        %dma_start3A_149 = tpu.memref_slice %arg4[%mul3A_141, %dma_start3A_148] : memref<10000x16xf32, #tpu.memory_space<hbm>> -> memref<624x16xf32, #tpu.memory_space<hbm>>
        %dma_start3A_150 = arith.constant 0 : i32
        %dma_start3A_151 = tpu.memref_slice %arg12[%mul3A_139, %dma_start3A_150] : memref<10240x16xf32, #tpu.memory_space<vmem_shared>> -> memref<624x16xf32, #tpu.memory_space<vmem_shared>>
        tpu.enqueue_dma source(%dma_start3A_151 : memref<624x16xf32, #tpu.memory_space<vmem_shared>>) target(%dma_start3A_149 : memref<624x16xf32, #tpu.memory_space<hbm>>) target_semaphore(%run_scoped3A_147 : memref<!tpu.dma_semaphore, #tpu.memory_space<semaphore_mem>>)
        %dma_wait3A_152 = arith.constant 0 : i32
        %dma_wait3A_153 = tpu.memref_slice %arg4[%mul3A_141, %dma_wait3A_152] : memref<10000x16xf32, #tpu.memory_space<hbm>> -> memref<624x16xf32, #tpu.memory_space<hbm>>
        %dma_wait3A_154 = arith.constant 0 : i32
        %dma_wait3A_155 = tpu.memref_slice %arg12[%mul3A_139, %dma_wait3A_154] : memref<10240x16xf32, #tpu.memory_space<vmem_shared>> -> memref<624x16xf32, #tpu.memory_space<vmem_shared>>
        tpu.wait_dma2 semaphore(%run_scoped3A_147 : memref<!tpu.dma_semaphore, #tpu.memory_space<semaphore_mem>>) src(%dma_wait3A_155 : memref<624x16xf32, #tpu.memory_space<vmem_shared>>) dst(%dma_wait3A_153 : memref<624x16xf32, #tpu.memory_space<hbm>>)
        tpu.yield
      }) : () -> ()
      %eq3A_142 = arith.constant 15 : i32
      %eq3A_143 = arith.cmpi eq, %arg1, %eq3A_142 : i32
      %convert_element_type3A_144 = arith.extui %eq3A_143 : i1 to i32
      %cond3A_145 = arith.constant 0 : i32
      %cond3A_146 = arith.cmpi ne, %convert_element_type3A_144, %cond3A_145 : i32
      scf.if %cond3A_146 {
        "tpu.region"() ({
          %run_scoped3A_147 = tpu.sem_alloc : memref<!tpu.dma_semaphore, #tpu.memory_space<semaphore_mem>>
          %dma_start3A_148 = arith.constant 9984 : i32
          %dma_start3A_149 = arith.constant 0 : i32
          %dma_start3A_150 = tpu.memref_slice %arg4[%dma_start3A_148, %dma_start3A_149] : memref<10000x16xf32, #tpu.memory_space<hbm>> -> memref<16x16xf32, #tpu.memory_space<hbm>>
          %dma_start3A_151 = arith.constant 9984 : i32
          %dma_start3A_152 = arith.constant 0 : i32
          %dma_start3A_153 = tpu.memref_slice %arg12[%dma_start3A_151, %dma_start3A_152] : memref<10240x16xf32, #tpu.memory_space<vmem_shared>> -> memref<16x16xf32, #tpu.memory_space<vmem_shared>>
          tpu.enqueue_dma source(%dma_start3A_153 : memref<16x16xf32, #tpu.memory_space<vmem_shared>>) target(%dma_start3A_150 : memref<16x16xf32, #tpu.memory_space<hbm>>) target_semaphore(%run_scoped3A_147 : memref<!tpu.dma_semaphore, #tpu.memory_space<semaphore_mem>>)
          %dma_wait3A_154 = arith.constant 9984 : i32
          %dma_wait3A_155 = arith.constant 0 : i32
          %dma_wait3A_156 = tpu.memref_slice %arg4[%dma_wait3A_154, %dma_wait3A_155] : memref<10000x16xf32, #tpu.memory_space<hbm>> -> memref<16x16xf32, #tpu.memory_space<hbm>>
          %dma_wait3A_157 = arith.constant 9984 : i32
          %dma_wait3A_158 = arith.constant 0 : i32
          %dma_wait3A_159 = tpu.memref_slice %arg12[%dma_wait3A_157, %dma_wait3A_158] : memref<10240x16xf32, #tpu.memory_space<vmem_shared>> -> memref<16x16xf32, #tpu.memory_space<vmem_shared>>
          tpu.wait_dma2 semaphore(%run_scoped3A_147 : memref<!tpu.dma_semaphore, #tpu.memory_space<semaphore_mem>>) src(%dma_wait3A_159 : memref<16x16xf32, #tpu.memory_space<vmem_shared>>) dst(%dma_wait3A_156 : memref<16x16xf32, #tpu.memory_space<hbm>>)
          tpu.yield
        }) : () -> ()
      } else {
      }
    } else {
    }
    %eq3A_133 = arith.constant 1 : i32
    %eq3A_134 = arith.cmpi eq, %arg0, %eq3A_133 : i32
    %convert_element_type3A_135 = arith.extui %eq3A_134 : i1 to i32
    %cond3A_136 = arith.constant 0 : i32
    %cond3A_137 = arith.cmpi ne, %convert_element_type3A_135, %cond3A_136 : i32
    scf.if %cond3A_137 {
      %mul3A_138 = arith.constant 624 : i32
      %mul3A_139 = arith.muli %arg1, %mul3A_138 : i32
      %mul3A_140 = arith.constant 624 : i32
      %mul3A_141 = arith.muli %arg1, %mul3A_140 : i32
      "tpu.region"() ({
        %run_scoped3A_147 = tpu.sem_alloc : memref<!tpu.dma_semaphore, #tpu.memory_space<semaphore_mem>>
        %dma_start3A_148 = arith.constant 0 : i32
        %dma_start3A_149 = tpu.memref_slice %arg5[%mul3A_141, %dma_start3A_148] : memref<10000x16xf32, #tpu.memory_space<hbm>> -> memref<624x16xf32, #tpu.memory_space<hbm>>
        %dma_start3A_150 = arith.constant 0 : i32
        %dma_start3A_151 = tpu.memref_slice %arg12[%mul3A_139, %dma_start3A_150] : memref<10240x16xf32, #tpu.memory_space<vmem_shared>> -> memref<624x16xf32, #tpu.memory_space<vmem_shared>>
        tpu.enqueue_dma source(%dma_start3A_151 : memref<624x16xf32, #tpu.memory_space<vmem_shared>>) target(%dma_start3A_149 : memref<624x16xf32, #tpu.memory_space<hbm>>) target_semaphore(%run_scoped3A_147 : memref<!tpu.dma_semaphore, #tpu.memory_space<semaphore_mem>>)
        %dma_wait3A_152 = arith.constant 0 : i32
        %dma_wait3A_153 = tpu.memref_slice %arg5[%mul3A_141, %dma_wait3A_152] : memref<10000x16xf32, #tpu.memory_space<hbm>> -> memref<624x16xf32, #tpu.memory_space<hbm>>
        %dma_wait3A_154 = arith.constant 0 : i32
        %dma_wait3A_155 = tpu.memref_slice %arg12[%mul3A_139, %dma_wait3A_154] : memref<10240x16xf32, #tpu.memory_space<vmem_shared>> -> memref<624x16xf32, #tpu.memory_space<vmem_shared>>
        tpu.wait_dma2 semaphore(%run_scoped3A_147 : memref<!tpu.dma_semaphore, #tpu.memory_space<semaphore_mem>>) src(%dma_wait3A_155 : memref<624x16xf32, #tpu.memory_space<vmem_shared>>) dst(%dma_wait3A_153 : memref<624x16xf32, #tpu.memory_space<hbm>>)
        tpu.yield
      }) : () -> ()
      %eq3A_142 = arith.constant 15 : i32
      %eq3A_143 = arith.cmpi eq, %arg1, %eq3A_142 : i32
      %convert_element_type3A_144 = arith.extui %eq3A_143 : i1 to i32
      %cond3A_145 = arith.constant 0 : i32
      %cond3A_146 = arith.cmpi ne, %convert_element_type3A_144, %cond3A_145 : i32
      scf.if %cond3A_146 {
        "tpu.region"() ({
          %run_scoped3A_147 = tpu.sem_alloc : memref<!tpu.dma_semaphore, #tpu.memory_space<semaphore_mem>>
          %dma_start3A_148 = arith.constant 9984 : i32
          %dma_start3A_149 = arith.constant 0 : i32
          %dma_start3A_150 = tpu.memref_slice %arg5[%dma_start3A_148, %dma_start3A_149] : memref<10000x16xf32, #tpu.memory_space<hbm>> -> memref<16x16xf32, #tpu.memory_space<hbm>>
          %dma_start3A_151 = arith.constant 9984 : i32
          %dma_start3A_152 = arith.constant 0 : i32
          %dma_start3A_153 = tpu.memref_slice %arg12[%dma_start3A_151, %dma_start3A_152] : memref<10240x16xf32, #tpu.memory_space<vmem_shared>> -> memref<16x16xf32, #tpu.memory_space<vmem_shared>>
          tpu.enqueue_dma source(%dma_start3A_153 : memref<16x16xf32, #tpu.memory_space<vmem_shared>>) target(%dma_start3A_150 : memref<16x16xf32, #tpu.memory_space<hbm>>) target_semaphore(%run_scoped3A_147 : memref<!tpu.dma_semaphore, #tpu.memory_space<semaphore_mem>>)
          %dma_wait3A_154 = arith.constant 9984 : i32
          %dma_wait3A_155 = arith.constant 0 : i32
          %dma_wait3A_156 = tpu.memref_slice %arg5[%dma_wait3A_154, %dma_wait3A_155] : memref<10000x16xf32, #tpu.memory_space<hbm>> -> memref<16x16xf32, #tpu.memory_space<hbm>>
          %dma_wait3A_157 = arith.constant 9984 : i32
          %dma_wait3A_158 = arith.constant 0 : i32
          %dma_wait3A_159 = tpu.memref_slice %arg12[%dma_wait3A_157, %dma_wait3A_158] : memref<10240x16xf32, #tpu.memory_space<vmem_shared>> -> memref<16x16xf32, #tpu.memory_space<vmem_shared>>
          tpu.wait_dma2 semaphore(%run_scoped3A_147 : memref<!tpu.dma_semaphore, #tpu.memory_space<semaphore_mem>>) src(%dma_wait3A_159 : memref<16x16xf32, #tpu.memory_space<vmem_shared>>) dst(%dma_wait3A_156 : memref<16x16xf32, #tpu.memory_space<hbm>>)
          tpu.yield
        }) : () -> ()
      } else {
      }
    } else {
    }
    return
  }
}

#map = affine_map<(d0, d1) -> (0, 0)>
module attributes {stable_mosaic.version = 14 : i64} {
  func.func @kern(%arg0: i32, %arg1: i32, %arg2: memref<10000x16xf32, #tpu.memory_space<hbm>>, %arg3: memref<2x320000xi32, #tpu.memory_space<hbm>>, %arg4: memref<10000x16xf32, #tpu.memory_space<hbm>>, %arg5: memref<10000x16xf32, #tpu.memory_space<hbm>>, %arg6: memref<10000xi32, #tpu.memory_space<vmem>>, %arg7: memref<10000xi32, #tpu.memory_space<vmem>>, %arg8: memref<2000x16xf32, #tpu.memory_space<vmem>>, %arg9: memref<2000x16xf32, #tpu.memory_space<vmem>>, %arg10: memref<2000x16xf32, #tpu.memory_space<vmem>>, %arg11: memref<128x16xf32, #tpu.memory_space<vmem>>, %arg12: memref<10240x16xf32, #tpu.memory_space<vmem_shared>>, %arg13: memref<!tpu.dma_semaphore, #tpu.memory_space<semaphore_mem>>, %arg14: memref<!tpu.dma_semaphore, #tpu.memory_space<semaphore_mem>>, %arg15: memref<!tpu.dma_semaphore, #tpu.memory_space<semaphore_mem>>, %arg16: memref<!tpu.dma_semaphore, #tpu.memory_space<semaphore_mem>>, %arg17: memref<!tpu.dma_semaphore, #tpu.memory_space<semaphore_mem>>, %arg18: memref<!tpu.dma_semaphore, #tpu.memory_space<semaphore_mem>>) attributes {dimension_semantics = [#tpu.dimension_semantics<core_parallel>, #tpu.dimension_semantics<subcore_parallel>], iteration_bounds = array<i64: 2, 16>, scalar_prefetch = 0 : i64, scratch_operands = 13 : i64, tpu.core_type = #tpu.core_type<sc_vector_subcore>, window_params = [{transform_indices = #map}, {transform_indices = #map}, {transform_indices = #map}, {transform_indices = #map}]} {
    %mul3A = arith.constant 16 : i32
    %mul3A_0 = arith.muli %arg0, %mul3A : i32
    %add3A = arith.addi %mul3A_0, %arg1 : i32
    %mul3A_1 = arith.constant 10000 : i32
    %mul3A_2 = arith.muli %add3A, %mul3A_1 : i32
    %run_scoped3A = arith.constant 0 : i32
    "tpu.region"() ({
      %run_scoped3A_138 = tpu.sem_alloc : memref<!tpu.dma_semaphore, #tpu.memory_space<semaphore_mem>>
      %dma_start3A_139 = tpu.memref_slice %arg3[%run_scoped3A, %mul3A_2] : memref<2x320000xi32, #tpu.memory_space<hbm>> -> memref<1x10000xi32, #tpu.memory_space<hbm>>
      %dma_start3A_140 = tpu.memref_squeeze %dma_start3A_139 : memref<1x10000xi32, #tpu.memory_space<hbm>> -> memref<10000xi32, #tpu.memory_space<hbm>>
      %dma_start3A_141 = tpu.memref_slice %arg3[%run_scoped3A, %mul3A_2] : memref<2x320000xi32, #tpu.memory_space<hbm>> -> memref<1x10000xi32, #tpu.memory_space<hbm>>
      %dma_start3A_142 = tpu.memref_squeeze %dma_start3A_141 : memref<1x10000xi32, #tpu.memory_space<hbm>> -> memref<10000xi32, #tpu.memory_space<hbm>>
      tpu.enqueue_dma source(%dma_start3A_142 : memref<10000xi32, #tpu.memory_space<hbm>>) target(%arg6 : memref<10000xi32, #tpu.memory_space<vmem>>) target_semaphore(%run_scoped3A_138 : memref<!tpu.dma_semaphore, #tpu.memory_space<semaphore_mem>>)
      %dma_wait3A_143 = tpu.memref_slice %arg3[%run_scoped3A, %mul3A_2] : memref<2x320000xi32, #tpu.memory_space<hbm>> -> memref<1x10000xi32, #tpu.memory_space<hbm>>
      %dma_wait3A_144 = tpu.memref_squeeze %dma_wait3A_143 : memref<1x10000xi32, #tpu.memory_space<hbm>> -> memref<10000xi32, #tpu.memory_space<hbm>>
      %dma_wait3A_145 = tpu.memref_slice %arg3[%run_scoped3A, %mul3A_2] : memref<2x320000xi32, #tpu.memory_space<hbm>> -> memref<1x10000xi32, #tpu.memory_space<hbm>>
      %dma_wait3A_146 = tpu.memref_squeeze %dma_wait3A_145 : memref<1x10000xi32, #tpu.memory_space<hbm>> -> memref<10000xi32, #tpu.memory_space<hbm>>
      tpu.wait_dma2 semaphore(%run_scoped3A_138 : memref<!tpu.dma_semaphore, #tpu.memory_space<semaphore_mem>>) src(%dma_wait3A_146 : memref<10000xi32, #tpu.memory_space<hbm>>) dst(%arg6 : memref<10000xi32, #tpu.memory_space<vmem>>)
      tpu.yield
    }) : () -> ()
    %mul3A_3 = arith.constant 10000 : i32
    %mul3A_4 = arith.muli %add3A, %mul3A_3 : i32
    %run_scoped3A_5 = arith.constant 1 : i32
    "tpu.region"() ({
      %run_scoped3A_138 = tpu.sem_alloc : memref<!tpu.dma_semaphore, #tpu.memory_space<semaphore_mem>>
      %dma_start3A_139 = tpu.memref_slice %arg3[%run_scoped3A_5, %mul3A_4] : memref<2x320000xi32, #tpu.memory_space<hbm>> -> memref<1x10000xi32, #tpu.memory_space<hbm>>
      %dma_start3A_140 = tpu.memref_squeeze %dma_start3A_139 : memref<1x10000xi32, #tpu.memory_space<hbm>> -> memref<10000xi32, #tpu.memory_space<hbm>>
      %dma_start3A_141 = tpu.memref_slice %arg3[%run_scoped3A_5, %mul3A_4] : memref<2x320000xi32, #tpu.memory_space<hbm>> -> memref<1x10000xi32, #tpu.memory_space<hbm>>
      %dma_start3A_142 = tpu.memref_squeeze %dma_start3A_141 : memref<1x10000xi32, #tpu.memory_space<hbm>> -> memref<10000xi32, #tpu.memory_space<hbm>>
      tpu.enqueue_dma source(%dma_start3A_142 : memref<10000xi32, #tpu.memory_space<hbm>>) target(%arg7 : memref<10000xi32, #tpu.memory_space<vmem>>) target_semaphore(%run_scoped3A_138 : memref<!tpu.dma_semaphore, #tpu.memory_space<semaphore_mem>>)
      %dma_wait3A_143 = tpu.memref_slice %arg3[%run_scoped3A_5, %mul3A_4] : memref<2x320000xi32, #tpu.memory_space<hbm>> -> memref<1x10000xi32, #tpu.memory_space<hbm>>
      %dma_wait3A_144 = tpu.memref_squeeze %dma_wait3A_143 : memref<1x10000xi32, #tpu.memory_space<hbm>> -> memref<10000xi32, #tpu.memory_space<hbm>>
      %dma_wait3A_145 = tpu.memref_slice %arg3[%run_scoped3A_5, %mul3A_4] : memref<2x320000xi32, #tpu.memory_space<hbm>> -> memref<1x10000xi32, #tpu.memory_space<hbm>>
      %dma_wait3A_146 = tpu.memref_squeeze %dma_wait3A_145 : memref<1x10000xi32, #tpu.memory_space<hbm>> -> memref<10000xi32, #tpu.memory_space<hbm>>
      tpu.wait_dma2 semaphore(%run_scoped3A_138 : memref<!tpu.dma_semaphore, #tpu.memory_space<semaphore_mem>>) src(%dma_wait3A_146 : memref<10000xi32, #tpu.memory_space<hbm>>) dst(%arg7 : memref<10000xi32, #tpu.memory_space<vmem>>)
      tpu.yield
    }) : () -> ()
    %broadcast_in_dim3A = arith.constant 0.000000e+00 : f32
    %broadcast_in_dim3A_6 = vector.broadcast %broadcast_in_dim3A : f32 to vector<16xf32>
    %scan3A = arith.constant 0 : i32
    %scan3A_7 = arith.constant 0 : i32
    %scan3A_8 = arith.constant 128 : i32
    %scan3A_9 = arith.addi %scan3A_7, %scan3A_8 : i32
    %scan3A_10 = arith.constant 1 : i32
    scf.for %scan3A_138 = %scan3A_7 to %scan3A_9 step %scan3A_10  : i32 {
      %swap3A = arith.index_cast %scan3A_138 : i32 to index
      %swap3A_139 = arith.constant 0 : index
      %swap3A_140 = tpu.vector_load %arg11[%swap3A, %swap3A_139] {strides = array<i32>} : memref<128x16xf32, #tpu.memory_space<vmem>>, vector<1x16xf32>,
      %swap3A_141 = vector.shape_cast %swap3A_140 : vector<1x16xf32> to vector<16xf32>
      %swap3A_142 = vector.shape_cast %broadcast_in_dim3A_6 : vector<16xf32> to vector<1x16xf32>
      tpu.vector_store %arg11[%swap3A, %swap3A_139], %swap3A_142 {strides = array<i32>} : memref<128x16xf32, #tpu.memory_space<vmem>>, vector<1x16xf32>,
    }
    %scan3A_11 = arith.constant 128 : i32
    %mul3A_12 = arith.constant 640 : i32
    %mul3A_13 = arith.muli %arg1, %mul3A_12 : i32
    %add3A_14 = arith.constant 0 : i32
    %add3A_15 = arith.addi %mul3A_13, %add3A_14 : i32
    "tpu.region"() ({
      %run_scoped3A_138 = tpu.sem_alloc : memref<!tpu.dma_semaphore, #tpu.memory_space<semaphore_mem>>
      %dma_start3A_139 = arith.constant 0 : i32
      %dma_start3A_140 = tpu.memref_slice %arg12[%add3A_15, %dma_start3A_139] : memref<10240x16xf32, #tpu.memory_space<vmem_shared>> -> memref<128x16xf32, #tpu.memory_space<vmem_shared>>
      %dma_start3A_141 = arith.constant 0 : i32
      %dma_start3A_142 = tpu.memref_slice %arg12[%add3A_15, %dma_start3A_141] : memref<10240x16xf32, #tpu.memory_space<vmem_shared>> -> memref<128x16xf32, #tpu.memory_space<vmem_shared>>
      tpu.enqueue_dma source(%arg11 : memref<128x16xf32, #tpu.memory_space<vmem>>) target(%dma_start3A_142 : memref<128x16xf32, #tpu.memory_space<vmem_shared>>) target_semaphore(%run_scoped3A_138 : memref<!tpu.dma_semaphore, #tpu.memory_space<semaphore_mem>>)
      %dma_wait3A_143 = arith.constant 0 : i32
      %dma_wait3A_144 = tpu.memref_slice %arg12[%add3A_15, %dma_wait3A_143] : memref<10240x16xf32, #tpu.memory_space<vmem_shared>> -> memref<128x16xf32, #tpu.memory_space<vmem_shared>>
      %dma_wait3A_145 = arith.constant 0 : i32
      %dma_wait3A_146 = tpu.memref_slice %arg12[%add3A_15, %dma_wait3A_145] : memref<10240x16xf32, #tpu.memory_space<vmem_shared>> -> memref<128x16xf32, #tpu.memory_space<vmem_shared>>
      tpu.wait_dma2 semaphore(%run_scoped3A_138 : memref<!tpu.dma_semaphore, #tpu.memory_space<semaphore_mem>>) src(%arg11 : memref<128x16xf32, #tpu.memory_space<vmem>>) dst(%dma_wait3A_146 : memref<128x16xf32, #tpu.memory_space<vmem_shared>>)
      tpu.yield
    }) : () -> ()
    %mul3A_16 = arith.constant 640 : i32
    %mul3A_17 = arith.muli %arg1, %mul3A_16 : i32
    %add3A_18 = arith.constant 128 : i32
    %add3A_19 = arith.addi %mul3A_17, %add3A_18 : i32
    "tpu.region"() ({
      %run_scoped3A_138 = tpu.sem_alloc : memref<!tpu.dma_semaphore, #tpu.memory_space<semaphore_mem>>
      %dma_start3A_139 = arith.constant 0 : i32
      %dma_start3A_140 = tpu.memref_slice %arg12[%add3A_19, %dma_start3A_139] : memref<10240x16xf32, #tpu.memory_space<vmem_shared>> -> memref<128x16xf32, #tpu.memory_space<vmem_shared>>
      %dma_start3A_141 = arith.constant 0 : i32
      %dma_start3A_142 = tpu.memref_slice %arg12[%add3A_19, %dma_start3A_141] : memref<10240x16xf32, #tpu.memory_space<vmem_shared>> -> memref<128x16xf32, #tpu.memory_space<vmem_shared>>
      tpu.enqueue_dma source(%arg11 : memref<128x16xf32, #tpu.memory_space<vmem>>) target(%dma_start3A_142 : memref<128x16xf32, #tpu.memory_space<vmem_shared>>) target_semaphore(%run_scoped3A_138 : memref<!tpu.dma_semaphore, #tpu.memory_space<semaphore_mem>>)
      %dma_wait3A_143 = arith.constant 0 : i32
      %dma_wait3A_144 = tpu.memref_slice %arg12[%add3A_19, %dma_wait3A_143] : memref<10240x16xf32, #tpu.memory_space<vmem_shared>> -> memref<128x16xf32, #tpu.memory_space<vmem_shared>>
      %dma_wait3A_145 = arith.constant 0 : i32
      %dma_wait3A_146 = tpu.memref_slice %arg12[%add3A_19, %dma_wait3A_145] : memref<10240x16xf32, #tpu.memory_space<vmem_shared>> -> memref<128x16xf32, #tpu.memory_space<vmem_shared>>
      tpu.wait_dma2 semaphore(%run_scoped3A_138 : memref<!tpu.dma_semaphore, #tpu.memory_space<semaphore_mem>>) src(%arg11 : memref<128x16xf32, #tpu.memory_space<vmem>>) dst(%dma_wait3A_146 : memref<128x16xf32, #tpu.memory_space<vmem_shared>>)
      tpu.yield
    }) : () -> ()
    %mul3A_20 = arith.constant 640 : i32
    %mul3A_21 = arith.muli %arg1, %mul3A_20 : i32
    %add3A_22 = arith.constant 256 : i32
    %add3A_23 = arith.addi %mul3A_21, %add3A_22 : i32
    "tpu.region"() ({
      %run_scoped3A_138 = tpu.sem_alloc : memref<!tpu.dma_semaphore, #tpu.memory_space<semaphore_mem>>
      %dma_start3A_139 = arith.constant 0 : i32
      %dma_start3A_140 = tpu.memref_slice %arg12[%add3A_23, %dma_start3A_139] : memref<10240x16xf32, #tpu.memory_space<vmem_shared>> -> memref<128x16xf32, #tpu.memory_space<vmem_shared>>
      %dma_start3A_141 = arith.constant 0 : i32
      %dma_start3A_142 = tpu.memref_slice %arg12[%add3A_23, %dma_start3A_141] : memref<10240x16xf32, #tpu.memory_space<vmem_shared>> -> memref<128x16xf32, #tpu.memory_space<vmem_shared>>
      tpu.enqueue_dma source(%arg11 : memref<128x16xf32, #tpu.memory_space<vmem>>) target(%dma_start3A_142 : memref<128x16xf32, #tpu.memory_space<vmem_shared>>) target_semaphore(%run_scoped3A_138 : memref<!tpu.dma_semaphore, #tpu.memory_space<semaphore_mem>>)
      %dma_wait3A_143 = arith.constant 0 : i32
      %dma_wait3A_144 = tpu.memref_slice %arg12[%add3A_23, %dma_wait3A_143] : memref<10240x16xf32, #tpu.memory_space<vmem_shared>> -> memref<128x16xf32, #tpu.memory_space<vmem_shared>>
      %dma_wait3A_145 = arith.constant 0 : i32
      %dma_wait3A_146 = tpu.memref_slice %arg12[%add3A_23, %dma_wait3A_145] : memref<10240x16xf32, #tpu.memory_space<vmem_shared>> -> memref<128x16xf32, #tpu.memory_space<vmem_shared>>
      tpu.wait_dma2 semaphore(%run_scoped3A_138 : memref<!tpu.dma_semaphore, #tpu.memory_space<semaphore_mem>>) src(%arg11 : memref<128x16xf32, #tpu.memory_space<vmem>>) dst(%dma_wait3A_146 : memref<128x16xf32, #tpu.memory_space<vmem_shared>>)
      tpu.yield
    }) : () -> ()
    %mul3A_24 = arith.constant 640 : i32
    %mul3A_25 = arith.muli %arg1, %mul3A_24 : i32
    %add3A_26 = arith.constant 384 : i32
    %add3A_27 = arith.addi %mul3A_25, %add3A_26 : i32
    "tpu.region"() ({
      %run_scoped3A_138 = tpu.sem_alloc : memref<!tpu.dma_semaphore, #tpu.memory_space<semaphore_mem>>
      %dma_start3A_139 = arith.constant 0 : i32
      %dma_start3A_140 = tpu.memref_slice %arg12[%add3A_27, %dma_start3A_139] : memref<10240x16xf32, #tpu.memory_space<vmem_shared>> -> memref<128x16xf32, #tpu.memory_space<vmem_shared>>
      %dma_start3A_141 = arith.constant 0 : i32
      %dma_start3A_142 = tpu.memref_slice %arg12[%add3A_27, %dma_start3A_141] : memref<10240x16xf32, #tpu.memory_space<vmem_shared>> -> memref<128x16xf32, #tpu.memory_space<vmem_shared>>
      tpu.enqueue_dma source(%arg11 : memref<128x16xf32, #tpu.memory_space<vmem>>) target(%dma_start3A_142 : memref<128x16xf32, #tpu.memory_space<vmem_shared>>) target_semaphore(%run_scoped3A_138 : memref<!tpu.dma_semaphore, #tpu.memory_space<semaphore_mem>>)
      %dma_wait3A_143 = arith.constant 0 : i32
      %dma_wait3A_144 = tpu.memref_slice %arg12[%add3A_27, %dma_wait3A_143] : memref<10240x16xf32, #tpu.memory_space<vmem_shared>> -> memref<128x16xf32, #tpu.memory_space<vmem_shared>>
      %dma_wait3A_145 = arith.constant 0 : i32
      %dma_wait3A_146 = tpu.memref_slice %arg12[%add3A_27, %dma_wait3A_145] : memref<10240x16xf32, #tpu.memory_space<vmem_shared>> -> memref<128x16xf32, #tpu.memory_space<vmem_shared>>
      tpu.wait_dma2 semaphore(%run_scoped3A_138 : memref<!tpu.dma_semaphore, #tpu.memory_space<semaphore_mem>>) src(%arg11 : memref<128x16xf32, #tpu.memory_space<vmem>>) dst(%dma_wait3A_146 : memref<128x16xf32, #tpu.memory_space<vmem_shared>>)
      tpu.yield
    }) : () -> ()
    %mul3A_28 = arith.constant 640 : i32
    %mul3A_29 = arith.muli %arg1, %mul3A_28 : i32
    %add3A_30 = arith.constant 512 : i32
    %add3A_31 = arith.addi %mul3A_29, %add3A_30 : i32
    "tpu.region"() ({
      %run_scoped3A_138 = tpu.sem_alloc : memref<!tpu.dma_semaphore, #tpu.memory_space<semaphore_mem>>
      %dma_start3A_139 = arith.constant 0 : i32
      %dma_start3A_140 = tpu.memref_slice %arg12[%add3A_31, %dma_start3A_139] : memref<10240x16xf32, #tpu.memory_space<vmem_shared>> -> memref<128x16xf32, #tpu.memory_space<vmem_shared>>
      %dma_start3A_141 = arith.constant 0 : i32
      %dma_start3A_142 = tpu.memref_slice %arg12[%add3A_31, %dma_start3A_141] : memref<10240x16xf32, #tpu.memory_space<vmem_shared>> -> memref<128x16xf32, #tpu.memory_space<vmem_shared>>
      tpu.enqueue_dma source(%arg11 : memref<128x16xf32, #tpu.memory_space<vmem>>) target(%dma_start3A_142 : memref<128x16xf32, #tpu.memory_space<vmem_shared>>) target_semaphore(%run_scoped3A_138 : memref<!tpu.dma_semaphore, #tpu.memory_space<semaphore_mem>>)
      %dma_wait3A_143 = arith.constant 0 : i32
      %dma_wait3A_144 = tpu.memref_slice %arg12[%add3A_31, %dma_wait3A_143] : memref<10240x16xf32, #tpu.memory_space<vmem_shared>> -> memref<128x16xf32, #tpu.memory_space<vmem_shared>>
      %dma_wait3A_145 = arith.constant 0 : i32
      %dma_wait3A_146 = tpu.memref_slice %arg12[%add3A_31, %dma_wait3A_145] : memref<10240x16xf32, #tpu.memory_space<vmem_shared>> -> memref<128x16xf32, #tpu.memory_space<vmem_shared>>
      tpu.wait_dma2 semaphore(%run_scoped3A_138 : memref<!tpu.dma_semaphore, #tpu.memory_space<semaphore_mem>>) src(%arg11 : memref<128x16xf32, #tpu.memory_space<vmem>>) dst(%dma_wait3A_146 : memref<128x16xf32, #tpu.memory_space<vmem_shared>>)
      tpu.yield
    }) : () -> ()
    %barrier3A = arith.constant 0 : index
    tpu.barrier barrier_id(%barrier3A)
    %dma_start3A = arith.constant 0 : i32
    %dma_start3A_32 = tpu.memref_slice %arg6[%dma_start3A] : memref<10000xi32, #tpu.memory_space<vmem>> -> memref<2000xi32, #tpu.memory_space<vmem>>
    %dma_start3A_33 = arith.constant 0 : i32
    %dma_start3A_34 = arith.constant 0 : i32
    %dma_start3A_35 = tpu.memref_slice %arg2[%dma_start3A_33, %dma_start3A_34] : memref<10000x16xf32, #tpu.memory_space<hbm>> -> memref<10000x16xf32, #tpu.memory_space<hbm>>
    tpu.enqueue_indirect_dma source(%dma_start3A_35 : memref<10000x16xf32, #tpu.memory_space<hbm>>) target(%arg8 : memref<2000x16xf32, #tpu.memory_space<vmem>>) offsets(%dma_start3A_32 : memref<2000xi32, #tpu.memory_space<vmem>>) semaphore(%arg13 : memref<!tpu.dma_semaphore, #tpu.memory_space<semaphore_mem>>)
    %dma_start3A_36 = arith.constant 2000 : i32
    %dma_start3A_37 = tpu.memref_slice %arg6[%dma_start3A_36] : memref<10000xi32, #tpu.memory_space<vmem>> -> memref<2000xi32, #tpu.memory_space<vmem>>
    %dma_start3A_38 = arith.constant 0 : i32
    %dma_start3A_39 = arith.constant 0 : i32
    %dma_start3A_40 = tpu.memref_slice %arg2[%dma_start3A_38, %dma_start3A_39] : memref<10000x16xf32, #tpu.memory_space<hbm>> -> memref<10000x16xf32, #tpu.memory_space<hbm>>
    tpu.enqueue_indirect_dma source(%dma_start3A_40 : memref<10000x16xf32, #tpu.memory_space<hbm>>) target(%arg9 : memref<2000x16xf32, #tpu.memory_space<vmem>>) offsets(%dma_start3A_37 : memref<2000xi32, #tpu.memory_space<vmem>>) semaphore(%arg14 : memref<!tpu.dma_semaphore, #tpu.memory_space<semaphore_mem>>)
    %dma_wait3A = arith.constant 0 : i32
    %dma_wait3A_41 = tpu.memref_slice %arg6[%dma_wait3A] : memref<10000xi32, #tpu.memory_space<vmem>> -> memref<2000xi32, #tpu.memory_space<vmem>>
    %dma_wait3A_42 = arith.constant 0 : i32
    %dma_wait3A_43 = arith.constant 0 : i32
    %dma_wait3A_44 = tpu.memref_slice %arg2[%dma_wait3A_42, %dma_wait3A_43] : memref<10000x16xf32, #tpu.memory_space<hbm>> -> memref<10000x16xf32, #tpu.memory_space<hbm>>
    tpu.wait_indirect_dma semaphore(%arg13 : memref<!tpu.dma_semaphore, #tpu.memory_space<semaphore_mem>>) src(%dma_wait3A_44 : memref<10000x16xf32, #tpu.memory_space<hbm>>) dst(%arg8 : memref<2000x16xf32, #tpu.memory_space<vmem>>)
    %dma_start3A_45 = arith.constant 0 : i32
    %dma_start3A_46 = tpu.memref_slice %arg7[%dma_start3A_45] : memref<10000xi32, #tpu.memory_space<vmem>> -> memref<2000xi32, #tpu.memory_space<vmem>>
    %dma_start3A_47 = arith.constant 0 : i32
    %dma_start3A_48 = arith.constant 0 : i32
    %dma_start3A_49 = tpu.memref_slice %arg12[%dma_start3A_47, %dma_start3A_48] : memref<10240x16xf32, #tpu.memory_space<vmem_shared>> -> memref<10240x16xf32, #tpu.memory_space<vmem_shared>>
    tpu.enqueue_indirect_dma source(%arg8 : memref<2000x16xf32, #tpu.memory_space<vmem>>) target(%dma_start3A_49 : memref<10240x16xf32, #tpu.memory_space<vmem_shared>>) offsets(%dma_start3A_46 : memref<2000xi32, #tpu.memory_space<vmem>>) semaphore(%arg16 : memref<!tpu.dma_semaphore, #tpu.memory_space<semaphore_mem>>) {add = true}
    %dma_start3A_50 = arith.constant 4000 : i32
    %dma_start3A_51 = tpu.memref_slice %arg6[%dma_start3A_50] : memref<10000xi32, #tpu.memory_space<vmem>> -> memref<2000xi32, #tpu.memory_space<vmem>>
    %dma_start3A_52 = arith.constant 0 : i32
    %dma_start3A_53 = arith.constant 0 : i32
    %dma_start3A_54 = tpu.memref_slice %arg2[%dma_start3A_52, %dma_start3A_53] : memref<10000x16xf32, #tpu.memory_space<hbm>> -> memref<10000x16xf32, #tpu.memory_space<hbm>>
    tpu.enqueue_indirect_dma source(%dma_start3A_54 : memref<10000x16xf32, #tpu.memory_space<hbm>>) target(%arg10 : memref<2000x16xf32, #tpu.memory_space<vmem>>) offsets(%dma_start3A_51 : memref<2000xi32, #tpu.memory_space<vmem>>) semaphore(%arg15 : memref<!tpu.dma_semaphore, #tpu.memory_space<semaphore_mem>>)
    %dma_wait3A_55 = arith.constant 2000 : i32
    %dma_wait3A_56 = tpu.memref_slice %arg6[%dma_wait3A_55] : memref<10000xi32, #tpu.memory_space<vmem>> -> memref<2000xi32, #tpu.memory_space<vmem>>
    %dma_wait3A_57 = arith.constant 0 : i32
    %dma_wait3A_58 = arith.constant 0 : i32
    %dma_wait3A_59 = tpu.memref_slice %arg2[%dma_wait3A_57, %dma_wait3A_58] : memref<10000x16xf32, #tpu.memory_space<hbm>> -> memref<10000x16xf32, #tpu.memory_space<hbm>>
    tpu.wait_indirect_dma semaphore(%arg14 : memref<!tpu.dma_semaphore, #tpu.memory_space<semaphore_mem>>) src(%dma_wait3A_59 : memref<10000x16xf32, #tpu.memory_space<hbm>>) dst(%arg9 : memref<2000x16xf32, #tpu.memory_space<vmem>>)
    %dma_start3A_60 = arith.constant 2000 : i32
    %dma_start3A_61 = tpu.memref_slice %arg7[%dma_start3A_60] : memref<10000xi32, #tpu.memory_space<vmem>> -> memref<2000xi32, #tpu.memory_space<vmem>>
    %dma_start3A_62 = arith.constant 0 : i32
    %dma_start3A_63 = arith.constant 0 : i32
    %dma_start3A_64 = tpu.memref_slice %arg12[%dma_start3A_62, %dma_start3A_63] : memref<10240x16xf32, #tpu.memory_space<vmem_shared>> -> memref<10240x16xf32, #tpu.memory_space<vmem_shared>>
    tpu.enqueue_indirect_dma source(%arg9 : memref<2000x16xf32, #tpu.memory_space<vmem>>) target(%dma_start3A_64 : memref<10240x16xf32, #tpu.memory_space<vmem_shared>>) offsets(%dma_start3A_61 : memref<2000xi32, #tpu.memory_space<vmem>>) semaphore(%arg17 : memref<!tpu.dma_semaphore, #tpu.memory_space<semaphore_mem>>) {add = true}
    %dma_wait3A_65 = arith.constant 0 : i32
    %dma_wait3A_66 = tpu.memref_slice %arg7[%dma_wait3A_65] : memref<10000xi32, #tpu.memory_space<vmem>> -> memref<2000xi32, #tpu.memory_space<vmem>>
    %dma_wait3A_67 = arith.constant 0 : i32
    %dma_wait3A_68 = arith.constant 0 : i32
    %dma_wait3A_69 = tpu.memref_slice %arg12[%dma_wait3A_67, %dma_wait3A_68] : memref<10240x16xf32, #tpu.memory_space<vmem_shared>> -> memref<10240x16xf32, #tpu.memory_space<vmem_shared>>
    tpu.wait_indirect_dma semaphore(%arg16 : memref<!tpu.dma_semaphore, #tpu.memory_space<semaphore_mem>>) src(%arg8 : memref<2000x16xf32, #tpu.memory_space<vmem>>) dst(%dma_wait3A_69 : memref<10240x16xf32, #tpu.memory_space<vmem_shared>>)
    %dma_start3A_70 = arith.constant 6000 : i32
    %dma_start3A_71 = tpu.memref_slice %arg6[%dma_start3A_70] : memref<10000xi32, #tpu.memory_space<vmem>> -> memref<2000xi32, #tpu.memory_space<vmem>>
    %dma_start3A_72 = arith.constant 0 : i32
    %dma_start3A_73 = arith.constant 0 : i32
    %dma_start3A_74 = tpu.memref_slice %arg2[%dma_start3A_72, %dma_start3A_73] : memref<10000x16xf32, #tpu.memory_space<hbm>> -> memref<10000x16xf32, #tpu.memory_space<hbm>>
    tpu.enqueue_indirect_dma source(%dma_start3A_74 : memref<10000x16xf32, #tpu.memory_space<hbm>>) target(%arg8 : memref<2000x16xf32, #tpu.memory_space<vmem>>) offsets(%dma_start3A_71 : memref<2000xi32, #tpu.memory_space<vmem>>) semaphore(%arg13 : memref<!tpu.dma_semaphore, #tpu.memory_space<semaphore_mem>>)
    %dma_wait3A_75 = arith.constant 4000 : i32
    %dma_wait3A_76 = tpu.memref_slice %arg6[%dma_wait3A_75] : memref<10000xi32, #tpu.memory_space<vmem>> -> memref<2000xi32, #tpu.memory_space<vmem>>
    %dma_wait3A_77 = arith.constant 0 : i32
    %dma_wait3A_78 = arith.constant 0 : i32
    %dma_wait3A_79 = tpu.memref_slice %arg2[%dma_wait3A_77, %dma_wait3A_78] : memref<10000x16xf32, #tpu.memory_space<hbm>> -> memref<10000x16xf32, #tpu.memory_space<hbm>>
    tpu.wait_indirect_dma semaphore(%arg15 : memref<!tpu.dma_semaphore, #tpu.memory_space<semaphore_mem>>) src(%dma_wait3A_79 : memref<10000x16xf32, #tpu.memory_space<hbm>>) dst(%arg10 : memref<2000x16xf32, #tpu.memory_space<vmem>>)
    %dma_start3A_80 = arith.constant 4000 : i32
    %dma_start3A_81 = tpu.memref_slice %arg7[%dma_start3A_80] : memref<10000xi32, #tpu.memory_space<vmem>> -> memref<2000xi32, #tpu.memory_space<vmem>>
    %dma_start3A_82 = arith.constant 0 : i32
    %dma_start3A_83 = arith.constant 0 : i32
    %dma_start3A_84 = tpu.memref_slice %arg12[%dma_start3A_82, %dma_start3A_83] : memref<10240x16xf32, #tpu.memory_space<vmem_shared>> -> memref<10240x16xf32, #tpu.memory_space<vmem_shared>>
    tpu.enqueue_indirect_dma source(%arg10 : memref<2000x16xf32, #tpu.memory_space<vmem>>) target(%dma_start3A_84 : memref<10240x16xf32, #tpu.memory_space<vmem_shared>>) offsets(%dma_start3A_81 : memref<2000xi32, #tpu.memory_space<vmem>>) semaphore(%arg18 : memref<!tpu.dma_semaphore, #tpu.memory_space<semaphore_mem>>) {add = true}
    %dma_wait3A_85 = arith.constant 2000 : i32
    %dma_wait3A_86 = tpu.memref_slice %arg7[%dma_wait3A_85] : memref<10000xi32, #tpu.memory_space<vmem>> -> memref<2000xi32, #tpu.memory_space<vmem>>
    %dma_wait3A_87 = arith.constant 0 : i32
    %dma_wait3A_88 = arith.constant 0 : i32
    %dma_wait3A_89 = tpu.memref_slice %arg12[%dma_wait3A_87, %dma_wait3A_88] : memref<10240x16xf32, #tpu.memory_space<vmem_shared>> -> memref<10240x16xf32, #tpu.memory_space<vmem_shared>>
    tpu.wait_indirect_dma semaphore(%arg17 : memref<!tpu.dma_semaphore, #tpu.memory_space<semaphore_mem>>) src(%arg9 : memref<2000x16xf32, #tpu.memory_space<vmem>>) dst(%dma_wait3A_89 : memref<10240x16xf32, #tpu.memory_space<vmem_shared>>)
    %dma_start3A_90 = arith.constant 8000 : i32
    %dma_start3A_91 = tpu.memref_slice %arg6[%dma_start3A_90] : memref<10000xi32, #tpu.memory_space<vmem>> -> memref<2000xi32, #tpu.memory_space<vmem>>
    %dma_start3A_92 = arith.constant 0 : i32
    %dma_start3A_93 = arith.constant 0 : i32
    %dma_start3A_94 = tpu.memref_slice %arg2[%dma_start3A_92, %dma_start3A_93] : memref<10000x16xf32, #tpu.memory_space<hbm>> -> memref<10000x16xf32, #tpu.memory_space<hbm>>
    tpu.enqueue_indirect_dma source(%dma_start3A_94 : memref<10000x16xf32, #tpu.memory_space<hbm>>) target(%arg9 : memref<2000x16xf32, #tpu.memory_space<vmem>>) offsets(%dma_start3A_91 : memref<2000xi32, #tpu.memory_space<vmem>>) semaphore(%arg14 : memref<!tpu.dma_semaphore, #tpu.memory_space<semaphore_mem>>)
    %dma_wait3A_95 = arith.constant 6000 : i32
    %dma_wait3A_96 = tpu.memref_slice %arg6[%dma_wait3A_95] : memref<10000xi32, #tpu.memory_space<vmem>> -> memref<2000xi32, #tpu.memory_space<vmem>>
    %dma_wait3A_97 = arith.constant 0 : i32
    %dma_wait3A_98 = arith.constant 0 : i32
    %dma_wait3A_99 = tpu.memref_slice %arg2[%dma_wait3A_97, %dma_wait3A_98] : memref<10000x16xf32, #tpu.memory_space<hbm>> -> memref<10000x16xf32, #tpu.memory_space<hbm>>
    tpu.wait_indirect_dma semaphore(%arg13 : memref<!tpu.dma_semaphore, #tpu.memory_space<semaphore_mem>>) src(%dma_wait3A_99 : memref<10000x16xf32, #tpu.memory_space<hbm>>) dst(%arg8 : memref<2000x16xf32, #tpu.memory_space<vmem>>)
    %dma_start3A_100 = arith.constant 6000 : i32
    %dma_start3A_101 = tpu.memref_slice %arg7[%dma_start3A_100] : memref<10000xi32, #tpu.memory_space<vmem>> -> memref<2000xi32, #tpu.memory_space<vmem>>
    %dma_start3A_102 = arith.constant 0 : i32
    %dma_start3A_103 = arith.constant 0 : i32
    %dma_start3A_104 = tpu.memref_slice %arg12[%dma_start3A_102, %dma_start3A_103] : memref<10240x16xf32, #tpu.memory_space<vmem_shared>> -> memref<10240x16xf32, #tpu.memory_space<vmem_shared>>
    tpu.enqueue_indirect_dma source(%arg8 : memref<2000x16xf32, #tpu.memory_space<vmem>>) target(%dma_start3A_104 : memref<10240x16xf32, #tpu.memory_space<vmem_shared>>) offsets(%dma_start3A_101 : memref<2000xi32, #tpu.memory_space<vmem>>) semaphore(%arg16 : memref<!tpu.dma_semaphore, #tpu.memory_space<semaphore_mem>>) {add = true}
    %dma_wait3A_105 = arith.constant 4000 : i32
    %dma_wait3A_106 = tpu.memref_slice %arg7[%dma_wait3A_105] : memref<10000xi32, #tpu.memory_space<vmem>> -> memref<2000xi32, #tpu.memory_space<vmem>>
    %dma_wait3A_107 = arith.constant 0 : i32
    %dma_wait3A_108 = arith.constant 0 : i32
    %dma_wait3A_109 = tpu.memref_slice %arg12[%dma_wait3A_107, %dma_wait3A_108] : memref<10240x16xf32, #tpu.memory_space<vmem_shared>> -> memref<10240x16xf32, #tpu.memory_space<vmem_shared>>
    tpu.wait_indirect_dma semaphore(%arg18 : memref<!tpu.dma_semaphore, #tpu.memory_space<semaphore_mem>>) src(%arg10 : memref<2000x16xf32, #tpu.memory_space<vmem>>) dst(%dma_wait3A_109 : memref<10240x16xf32, #tpu.memory_space<vmem_shared>>)
    %dma_wait3A_110 = arith.constant 8000 : i32
    %dma_wait3A_111 = tpu.memref_slice %arg6[%dma_wait3A_110] : memref<10000xi32, #tpu.memory_space<vmem>> -> memref<2000xi32, #tpu.memory_space<vmem>>
    %dma_wait3A_112 = arith.constant 0 : i32
    %dma_wait3A_113 = arith.constant 0 : i32
    %dma_wait3A_114 = tpu.memref_slice %arg2[%dma_wait3A_112, %dma_wait3A_113] : memref<10000x16xf32, #tpu.memory_space<hbm>> -> memref<10000x16xf32, #tpu.memory_space<hbm>>
    tpu.wait_indirect_dma semaphore(%arg14 : memref<!tpu.dma_semaphore, #tpu.memory_space<semaphore_mem>>) src(%dma_wait3A_114 : memref<10000x16xf32, #tpu.memory_space<hbm>>) dst(%arg9 : memref<2000x16xf32, #tpu.memory_space<vmem>>)
    %dma_start3A_115 = arith.constant 8000 : i32
    %dma_start3A_116 = tpu.memref_slice %arg7[%dma_start3A_115] : memref<10000xi32, #tpu.memory_space<vmem>> -> memref<2000xi32, #tpu.memory_space<vmem>>
    %dma_start3A_117 = arith.constant 0 : i32
    %dma_start3A_118 = arith.constant 0 : i32
    %dma_start3A_119 = tpu.memref_slice %arg12[%dma_start3A_117, %dma_start3A_118] : memref<10240x16xf32, #tpu.memory_space<vmem_shared>> -> memref<10240x16xf32, #tpu.memory_space<vmem_shared>>
    tpu.enqueue_indirect_dma source(%arg9 : memref<2000x16xf32, #tpu.memory_space<vmem>>) target(%dma_start3A_119 : memref<10240x16xf32, #tpu.memory_space<vmem_shared>>) offsets(%dma_start3A_116 : memref<2000xi32, #tpu.memory_space<vmem>>) semaphore(%arg17 : memref<!tpu.dma_semaphore, #tpu.memory_space<semaphore_mem>>) {add = true}
    %dma_wait3A_120 = arith.constant 6000 : i32
    %dma_wait3A_121 = tpu.memref_slice %arg7[%dma_wait3A_120] : memref<10000xi32, #tpu.memory_space<vmem>> -> memref<2000xi32, #tpu.memory_space<vmem>>
    %dma_wait3A_122 = arith.constant 0 : i32
    %dma_wait3A_123 = arith.constant 0 : i32
    %dma_wait3A_124 = tpu.memref_slice %arg12[%dma_wait3A_122, %dma_wait3A_123] : memref<10240x16xf32, #tpu.memory_space<vmem_shared>> -> memref<10240x16xf32, #tpu.memory_space<vmem_shared>>
    tpu.wait_indirect_dma semaphore(%arg16 : memref<!tpu.dma_semaphore, #tpu.memory_space<semaphore_mem>>) src(%arg8 : memref<2000x16xf32, #tpu.memory_space<vmem>>) dst(%dma_wait3A_124 : memref<10240x16xf32, #tpu.memory_space<vmem_shared>>)
    %dma_wait3A_125 = arith.constant 8000 : i32
    %dma_wait3A_126 = tpu.memref_slice %arg7[%dma_wait3A_125] : memref<10000xi32, #tpu.memory_space<vmem>> -> memref<2000xi32, #tpu.memory_space<vmem>>
    %dma_wait3A_127 = arith.constant 0 : i32
    %dma_wait3A_128 = arith.constant 0 : i32
    %dma_wait3A_129 = tpu.memref_slice %arg12[%dma_wait3A_127, %dma_wait3A_128] : memref<10240x16xf32, #tpu.memory_space<vmem_shared>> -> memref<10240x16xf32, #tpu.memory_space<vmem_shared>>
    tpu.wait_indirect_dma semaphore(%arg17 : memref<!tpu.dma_semaphore, #tpu.memory_space<semaphore_mem>>) src(%arg9 : memref<2000x16xf32, #tpu.memory_space<vmem>>) dst(%dma_wait3A_129 : memref<10240x16xf32, #tpu.memory_space<vmem_shared>>)
    %barrier3A_130 = arith.constant 0 : index
    tpu.barrier barrier_id(%barrier3A_130)
    %eq3A = arith.constant 0 : i32
    %eq3A_131 = arith.cmpi eq, %arg0, %eq3A : i32
    %convert_element_type3A = arith.extui %eq3A_131 : i1 to i32
    %cond3A = arith.constant 0 : i32
    %cond3A_132 = arith.cmpi ne, %convert_element_type3A, %cond3A : i32
    scf.if %cond3A_132 {
      %mul3A_138 = arith.constant 624 : i32
      %mul3A_139 = arith.muli %arg1, %mul3A_138 : i32
      %mul3A_140 = arith.constant 624 : i32
      %mul3A_141 = arith.muli %arg1, %mul3A_140 : i32
      "tpu.region"() ({
        %run_scoped3A_147 = tpu.sem_alloc : memref<!tpu.dma_semaphore, #tpu.memory_space<semaphore_mem>>
        %dma_start3A_148 = arith.constant 0 : i32
        %dma_start3A_149 = tpu.memref_slice %arg4[%mul3A_141, %dma_start3A_148] : memref<10000x16xf32, #tpu.memory_space<hbm>> -> memref<624x16xf32, #tpu.memory_space<hbm>>
        %dma_start3A_150 = arith.constant 0 : i32
        %dma_start3A_151 = tpu.memref_slice %arg12[%mul3A_139, %dma_start3A_150] : memref<10240x16xf32, #tpu.memory_space<vmem_shared>> -> memref<624x16xf32, #tpu.memory_space<vmem_shared>>
        tpu.enqueue_dma source(%dma_start3A_151 : memref<624x16xf32, #tpu.memory_space<vmem_shared>>) target(%dma_start3A_149 : memref<624x16xf32, #tpu.memory_space<hbm>>) target_semaphore(%run_scoped3A_147 : memref<!tpu.dma_semaphore, #tpu.memory_space<semaphore_mem>>)
        %dma_wait3A_152 = arith.constant 0 : i32
        %dma_wait3A_153 = tpu.memref_slice %arg4[%mul3A_141, %dma_wait3A_152] : memref<10000x16xf32, #tpu.memory_space<hbm>> -> memref<624x16xf32, #tpu.memory_space<hbm>>
        %dma_wait3A_154 = arith.constant 0 : i32
        %dma_wait3A_155 = tpu.memref_slice %arg12[%mul3A_139, %dma_wait3A_154] : memref<10240x16xf32, #tpu.memory_space<vmem_shared>> -> memref<624x16xf32, #tpu.memory_space<vmem_shared>>
        tpu.wait_dma2 semaphore(%run_scoped3A_147 : memref<!tpu.dma_semaphore, #tpu.memory_space<semaphore_mem>>) src(%dma_wait3A_155 : memref<624x16xf32, #tpu.memory_space<vmem_shared>>) dst(%dma_wait3A_153 : memref<624x16xf32, #tpu.memory_space<hbm>>)
        tpu.yield
      }) : () -> ()
      %eq3A_142 = arith.constant 15 : i32
      %eq3A_143 = arith.cmpi eq, %arg1, %eq3A_142 : i32
      %convert_element_type3A_144 = arith.extui %eq3A_143 : i1 to i32
      %cond3A_145 = arith.constant 0 : i32
      %cond3A_146 = arith.cmpi ne, %convert_element_type3A_144, %cond3A_145 : i32
      scf.if %cond3A_146 {
        "tpu.region"() ({
          %run_scoped3A_147 = tpu.sem_alloc : memref<!tpu.dma_semaphore, #tpu.memory_space<semaphore_mem>>
          %dma_start3A_148 = arith.constant 9984 : i32
          %dma_start3A_149 = arith.constant 0 : i32
          %dma_start3A_150 = tpu.memref_slice %arg4[%dma_start3A_148, %dma_start3A_149] : memref<10000x16xf32, #tpu.memory_space<hbm>> -> memref<16x16xf32, #tpu.memory_space<hbm>>
          %dma_start3A_151 = arith.constant 9984 : i32
          %dma_start3A_152 = arith.constant 0 : i32
          %dma_start3A_153 = tpu.memref_slice %arg12[%dma_start3A_151, %dma_start3A_152] : memref<10240x16xf32, #tpu.memory_space<vmem_shared>> -> memref<16x16xf32, #tpu.memory_space<vmem_shared>>
          tpu.enqueue_dma source(%dma_start3A_153 : memref<16x16xf32, #tpu.memory_space<vmem_shared>>) target(%dma_start3A_150 : memref<16x16xf32, #tpu.memory_space<hbm>>) target_semaphore(%run_scoped3A_147 : memref<!tpu.dma_semaphore, #tpu.memory_space<semaphore_mem>>)
          %dma_wait3A_154 = arith.constant 9984 : i32
          %dma_wait3A_155 = arith.constant 0 : i32
          %dma_wait3A_156 = tpu.memref_slice %arg4[%dma_wait3A_154, %dma_wait3A_155] : memref<10000x16xf32, #tpu.memory_space<hbm>> -> memref<16x16xf32, #tpu.memory_space<hbm>>
          %dma_wait3A_157 = arith.constant 9984 : i32
          %dma_wait3A_158 = arith.constant 0 : i32
          %dma_wait3A_159 = tpu.memref_slice %arg12[%dma_wait3A_157, %dma_wait3A_158] : memref<10240x16xf32, #tpu.memory_space<vmem_shared>> -> memref<16x16xf32, #tpu.memory_space<vmem_shared>>
          tpu.wait_dma2 semaphore(%run_scoped3A_147 : memref<!tpu.dma_semaphore, #tpu.memory_space<semaphore_mem>>) src(%dma_wait3A_159 : memref<16x16xf32, #tpu.memory_space<vmem_shared>>) dst(%dma_wait3A_156 : memref<16x16xf32, #tpu.memory_space<hbm>>)
          tpu.yield
        }) : () -> ()
      } else {
      }
    } else {
    }
    %eq3A_133 = arith.constant 1 : i32
    %eq3A_134 = arith.cmpi eq, %arg0, %eq3A_133 : i32
    %convert_element_type3A_135 = arith.extui %eq3A_134 : i1 to i32
    %cond3A_136 = arith.constant 0 : i32
    %cond3A_137 = arith.cmpi ne, %convert_element_type3A_135, %cond3A_136 : i32
    scf.if %cond3A_137 {
      %mul3A_138 = arith.constant 624 : i32
      %mul3A_139 = arith.muli %arg1, %mul3A_138 : i32
      %mul3A_140 = arith.constant 624 : i32
      %mul3A_141 = arith.muli %arg1, %mul3A_140 : i32
      "tpu.region"() ({
        %run_scoped3A_147 = tpu.sem_alloc : memref<!tpu.dma_semaphore, #tpu.memory_space<semaphore_mem>>
        %dma_start3A_148 = arith.constant 0 : i32
        %dma_start3A_149 = tpu.memref_slice %arg5[%mul3A_141, %dma_start3A_148] : memref<10000x16xf32, #tpu.memory_space<hbm>> -> memref<624x16xf32, #tpu.memory_space<hbm>>
        %dma_start3A_150 = arith.constant 0 : i32
        %dma_start3A_151 = tpu.memref_slice %arg12[%mul3A_139, %dma_start3A_150] : memref<10240x16xf32, #tpu.memory_space<vmem_shared>> -> memref<624x16xf32, #tpu.memory_space<vmem_shared>>
        tpu.enqueue_dma source(%dma_start3A_151 : memref<624x16xf32, #tpu.memory_space<vmem_shared>>) target(%dma_start3A_149 : memref<624x16xf32, #tpu.memory_space<hbm>>) target_semaphore(%run_scoped3A_147 : memref<!tpu.dma_semaphore, #tpu.memory_space<semaphore_mem>>)
        %dma_wait3A_152 = arith.constant 0 : i32
        %dma_wait3A_153 = tpu.memref_slice %arg5[%mul3A_141, %dma_wait3A_152] : memref<10000x16xf32, #tpu.memory_space<hbm>> -> memref<624x16xf32, #tpu.memory_space<hbm>>
        %dma_wait3A_154 = arith.constant 0 : i32
        %dma_wait3A_155 = tpu.memref_slice %arg12[%mul3A_139, %dma_wait3A_154] : memref<10240x16xf32, #tpu.memory_space<vmem_shared>> -> memref<624x16xf32, #tpu.memory_space<vmem_shared>>
        tpu.wait_dma2 semaphore(%run_scoped3A_147 : memref<!tpu.dma_semaphore, #tpu.memory_space<semaphore_mem>>) src(%dma_wait3A_155 : memref<624x16xf32, #tpu.memory_space<vmem_shared>>) dst(%dma_wait3A_153 : memref<624x16xf32, #tpu.memory_space<hbm>>)
        tpu.yield
      }) : () -> ()
      %eq3A_142 = arith.constant 15 : i32
      %eq3A_143 = arith.cmpi eq, %arg1, %eq3A_142 : i32
      %convert_element_type3A_144 = arith.extui %eq3A_143 : i1 to i32
      %cond3A_145 = arith.constant 0 : i32
      %cond3A_146 = arith.cmpi ne, %convert_element_type3A_144, %cond3A_145 : i32
      scf.if %cond3A_146 {
        "tpu.region"() ({
          %run_scoped3A_147 = tpu.sem_alloc : memref<!tpu.dma_semaphore, #tpu.memory_space<semaphore_mem>>
          %dma_start3A_148 = arith.constant 9984 : i32
          %dma_start3A_149 = arith.constant 0 : i32
          %dma_start3A_150 = tpu.memref_slice %arg5[%dma_start3A_148, %dma_start3A_149] : memref<10000x16xf32, #tpu.memory_space<hbm>> -> memref<16x16xf32, #tpu.memory_space<hbm>>
          %dma_start3A_151 = arith.constant 9984 : i32
          %dma_start3A_152 = arith.constant 0 : i32
          %dma_start3A_153 = tpu.memref_slice %arg12[%dma_start3A_151, %dma_start3A_152] : memref<10240x16xf32, #tpu.memory_space<vmem_shared>> -> memref<16x16xf32, #tpu.memory_space<vmem_shared>>
          tpu.enqueue_dma source(%dma_start3A_153 : memref<16x16xf32, #tpu.memory_space<vmem_shared>>) target(%dma_start3A_150 : memref<16x16xf32, #tpu.memory_space<hbm>>) target_semaphore(%run_scoped3A_147 : memref<!tpu.dma_semaphore, #tpu.memory_space<semaphore_mem>>)
          %dma_wait3A_154 = arith.constant 9984 : i32
          %dma_wait3A_155 = arith.constant 0 : i32
          %dma_wait3A_156 = tpu.memref_slice %arg5[%dma_wait3A_154, %dma_wait3A_155] : memref<10000x16xf32, #tpu.memory_space<hbm>> -> memref<16x16xf32, #tpu.memory_space<hbm>>
          %dma_wait3A_157 = arith.constant 9984 : i32
          %dma_wait3A_158 = arith.constant 0 : i32
          %dma_wait3A_159 = tpu.memref_slice %arg12[%dma_wait3A_157, %dma_wait3A_158] : memref<10240x16xf32, #tpu.memory_space<vmem_shared>> -> memref<16x16xf32, #tpu.memory_space<vmem_shared>>
          tpu.wait_dma2 semaphore(%run_scoped3A_147 : memref<!tpu.dma_semaphore, #tpu.memory_space<semaphore_mem>>) src(%dma_wait3A_159 : memref<16x16xf32, #tpu.memory_space<vmem_shared>>) dst(%dma_wait3A_156 : memref<16x16xf32, #tpu.memory_space<hbm>>)
          tpu.yield
        }) : () -> ()
      } else {
      }
    } else {
    }
    return
  }
}

module attributes {stable_mosaic.version = 14 : i64} {
  func.func @body(%arg0: i32, %arg1: memref<10000x128xf32, #tpu.memory_space<vmem>>, %arg2: memref<128x128xf32, #tpu.memory_space<vmem>>, %arg3: memref<1250x128xf32, #tpu.memory_space<vmem>>) attributes {dimension_semantics = [#tpu.dimension_semantics<arbitrary>], iteration_bounds = array<i64: 1>, scalar_prefetch = 0 : i64, scratch_operands = 0 : i64, tpu.core_type = #tpu.core_type<tc>, window_params = [{transform_indices = @transform_0, window_bounds = array<i64: 10000, 128>}, {pipeline_mode = #tpu.pipeline_mode<synchronous>, transform_indices = @transform_1, window_bounds = array<i64: 128, 128>}, {transform_indices = @transform_2, window_bounds = array<i64: 1250, 128>}]} {
    %get3A = arith.constant 0 : index
    %get3A_0 = arith.constant 0 : index
    %get3A_1 = vector.load %arg1[%get3A, %get3A_0] : memref<10000x128xf32, #tpu.memory_space<vmem>>, vector<10000x128xf32>
    %get3A_2 = arith.constant 0 : index
    %get3A_3 = arith.constant 0 : index
    %get3A_4 = vector.load %arg2[%get3A_2, %get3A_3] : memref<128x128xf32, #tpu.memory_space<vmem>>, vector<128x128xf32>
    %dot_general3A = arith.constant dense<0.000000e+00> : vector<10000x128xf32>
    %dot_general3A_5 = tpu.matmul %get3A_1, %get3A_4, %dot_general3A {dimension_numbers = #tpu.dot_dimension_numbers<[1], [0], [0], [1], [0, 0, 1, 1], [], []>, transpose_lhs_hint = false} : vector<10000x128xf32>, vector<128x128xf32>, vector<10000x128xf32> -> vector<10000x128xf32>
    %reshape3A = vector.shape_cast %dot_general3A_5 : vector<10000x128xf32> to vector<1250x8x128xf32>
    %iota3A = tpu.iota {dimensions = array<i32: 1>} : vector<1250x128xi32>
    %jit3A = arith.constant 16 : i32
    %div3A = vector.broadcast %jit3A : i32 to vector<1250x128xi32>
    %div3A_6 = arith.divsi %iota3A, %div3A : vector<1250x128xi32>
    %sign3A = arith.constant 0 : i32
    %sign3A_7 = vector.broadcast %sign3A : i32 to vector<1250x128xi32>
    %sign3A_8 = arith.cmpi sgt, %iota3A, %sign3A_7 : vector<1250x128xi32>
    %sign3A_9 = arith.extui %sign3A_8 : vector<1250x128xi1> to vector<1250x128xi32>
    %sign3A_10 = arith.constant 0 : i32
    %sign3A_11 = vector.broadcast %sign3A_10 : i32 to vector<1250x128xi32>
    %sign3A_12 = arith.cmpi slt, %iota3A, %sign3A_11 : vector<1250x128xi32>
    %sign3A_13 = arith.extui %sign3A_12 : vector<1250x128xi1> to vector<1250x128xi32>
    %sign3A_14 = arith.subi %sign3A_9, %sign3A_13 : vector<1250x128xi32>
    %sign3A_15 = arith.constant 0 : i32
    %sign3A_16 = arith.cmpi sgt, %jit3A, %sign3A_15 : i32
    %sign3A_17 = arith.extui %sign3A_16 : i1 to i32
    %sign3A_18 = arith.constant 0 : i32
    %sign3A_19 = arith.cmpi slt, %jit3A, %sign3A_18 : i32
    %sign3A_20 = arith.extui %sign3A_19 : i1 to i32
    %sign3A_21 = arith.subi %sign3A_17, %sign3A_20 : i32
    %ne3A = vector.broadcast %sign3A_21 : i32 to vector<1250x128xi32>
    %ne3A_22 = arith.cmpi ne, %sign3A_14, %ne3A : vector<1250x128xi32>
    %rem3A = vector.broadcast %jit3A : i32 to vector<1250x128xi32>
    %rem3A_23 = arith.remsi %iota3A, %rem3A : vector<1250x128xi32>
    %ne3A_24 = arith.constant 0 : i32
    %ne3A_25 = vector.broadcast %ne3A_24 : i32 to vector<1250x128xi32>
    %ne3A_26 = arith.cmpi ne, %rem3A_23, %ne3A_25 : vector<1250x128xi32>
    %and3A = arith.andi %ne3A_22, %ne3A_26 : vector<1250x128xi1>
    %sub3A = arith.constant 1 : i32
    %sub3A_27 = vector.broadcast %sub3A : i32 to vector<1250x128xi32>
    %sub3A_28 = arith.subi %div3A_6, %sub3A_27 : vector<1250x128xi32>
    %select_n3A = arith.select %and3A, %sub3A_28, %div3A_6 : vector<1250x128xi1>, vector<1250x128xi32>
    %eq3A = arith.constant 0 : i32
    %eq3A_29 = vector.broadcast %eq3A : i32 to vector<1250x128xi32>
    %eq3A_30 = arith.cmpi eq, %select_n3A, %eq3A_29 : vector<1250x128xi32>
    %slice3A = vector.extract_strided_slice %reshape3A {offsets = [0, 0, 0], sizes = [1250, 1, 128], strides = [1, 1, 1]} : vector<1250x8x128xf32> to vector<1250x1x128xf32>
    %squeeze3A = vector.shape_cast %slice3A : vector<1250x1x128xf32> to vector<1250x128xf32>
    %slice3A_31 = vector.extract_strided_slice %reshape3A {offsets = [0, 1, 0], sizes = [1250, 1, 128], strides = [1, 1, 1]} : vector<1250x8x128xf32> to vector<1250x1x128xf32>
    %squeeze3A_32 = vector.shape_cast %slice3A_31 : vector<1250x1x128xf32> to vector<1250x128xf32>
    %select_n3A_33 = arith.select %eq3A_30, %squeeze3A, %squeeze3A_32 : vector<1250x128xi1>, vector<1250x128xf32>
    %eq3A_34 = arith.constant 2 : i32
    %eq3A_35 = vector.broadcast %eq3A_34 : i32 to vector<1250x128xi32>
    %eq3A_36 = arith.cmpi eq, %select_n3A, %eq3A_35 : vector<1250x128xi32>
    %slice3A_37 = vector.extract_strided_slice %reshape3A {offsets = [0, 2, 0], sizes = [1250, 1, 128], strides = [1, 1, 1]} : vector<1250x8x128xf32> to vector<1250x1x128xf32>
    %squeeze3A_38 = vector.shape_cast %slice3A_37 : vector<1250x1x128xf32> to vector<1250x128xf32>
    %select_n3A_39 = arith.select %eq3A_36, %squeeze3A_38, %select_n3A_33 : vector<1250x128xi1>, vector<1250x128xf32>
    %eq3A_40 = arith.constant 3 : i32
    %eq3A_41 = vector.broadcast %eq3A_40 : i32 to vector<1250x128xi32>
    %eq3A_42 = arith.cmpi eq, %select_n3A, %eq3A_41 : vector<1250x128xi32>
    %slice3A_43 = vector.extract_strided_slice %reshape3A {offsets = [0, 3, 0], sizes = [1250, 1, 128], strides = [1, 1, 1]} : vector<1250x8x128xf32> to vector<1250x1x128xf32>
    %squeeze3A_44 = vector.shape_cast %slice3A_43 : vector<1250x1x128xf32> to vector<1250x128xf32>
    %select_n3A_45 = arith.select %eq3A_42, %squeeze3A_44, %select_n3A_39 : vector<1250x128xi1>, vector<1250x128xf32>
    %eq3A_46 = arith.constant 4 : i32
    %eq3A_47 = vector.broadcast %eq3A_46 : i32 to vector<1250x128xi32>
    %eq3A_48 = arith.cmpi eq, %select_n3A, %eq3A_47 : vector<1250x128xi32>
    %slice3A_49 = vector.extract_strided_slice %reshape3A {offsets = [0, 4, 0], sizes = [1250, 1, 128], strides = [1, 1, 1]} : vector<1250x8x128xf32> to vector<1250x1x128xf32>
    %squeeze3A_50 = vector.shape_cast %slice3A_49 : vector<1250x1x128xf32> to vector<1250x128xf32>
    %select_n3A_51 = arith.select %eq3A_48, %squeeze3A_50, %select_n3A_45 : vector<1250x128xi1>, vector<1250x128xf32>
    %eq3A_52 = arith.constant 5 : i32
    %eq3A_53 = vector.broadcast %eq3A_52 : i32 to vector<1250x128xi32>
    %eq3A_54 = arith.cmpi eq, %select_n3A, %eq3A_53 : vector<1250x128xi32>
    %slice3A_55 = vector.extract_strided_slice %reshape3A {offsets = [0, 5, 0], sizes = [1250, 1, 128], strides = [1, 1, 1]} : vector<1250x8x128xf32> to vector<1250x1x128xf32>
    %squeeze3A_56 = vector.shape_cast %slice3A_55 : vector<1250x1x128xf32> to vector<1250x128xf32>
    %select_n3A_57 = arith.select %eq3A_54, %squeeze3A_56, %select_n3A_51 : vector<1250x128xi1>, vector<1250x128xf32>
    %eq3A_58 = arith.constant 6 : i32
    %eq3A_59 = vector.broadcast %eq3A_58 : i32 to vector<1250x128xi32>
    %eq3A_60 = arith.cmpi eq, %select_n3A, %eq3A_59 : vector<1250x128xi32>
    %slice3A_61 = vector.extract_strided_slice %reshape3A {offsets = [0, 6, 0], sizes = [1250, 1, 128], strides = [1, 1, 1]} : vector<1250x8x128xf32> to vector<1250x1x128xf32>
    %squeeze3A_62 = vector.shape_cast %slice3A_61 : vector<1250x1x128xf32> to vector<1250x128xf32>
    %select_n3A_63 = arith.select %eq3A_60, %squeeze3A_62, %select_n3A_57 : vector<1250x128xi1>, vector<1250x128xf32>
    %eq3A_64 = arith.constant 7 : i32
    %eq3A_65 = vector.broadcast %eq3A_64 : i32 to vector<1250x128xi32>
    %eq3A_66 = arith.cmpi eq, %select_n3A, %eq3A_65 : vector<1250x128xi32>
    %slice3A_67 = vector.extract_strided_slice %reshape3A {offsets = [0, 7, 0], sizes = [1250, 1, 128], strides = [1, 1, 1]} : vector<1250x8x128xf32> to vector<1250x1x128xf32>
    %squeeze3A_68 = vector.shape_cast %slice3A_67 : vector<1250x1x128xf32> to vector<1250x128xf32>
    %select_n3A_69 = arith.select %eq3A_66, %squeeze3A_68, %select_n3A_63 : vector<1250x128xi1>, vector<1250x128xf32>
    %swap3A = arith.constant 0 : index
    %swap3A_70 = arith.constant 0 : index
    %swap3A_71 = vector.load %arg3[%swap3A, %swap3A_70] : memref<1250x128xf32, #tpu.memory_space<vmem>>, vector<1250x128xf32>
    tpu.vector_store %arg3[%swap3A, %swap3A_70], %select_n3A_69 {strides = array<i32>} : memref<1250x128xf32, #tpu.memory_space<vmem>>, vector<1250x128xf32>,
    return
  }
  func.func @transform_0(%arg0: i32) -> (i32, i32) {
    %c0_i32 = arith.constant 0 : i32
    %c0_i32_0 = arith.constant 0 : i32
    return %arg0, %c0_i32 : i32, i32
  }
  func.func @transform_1(%arg0: i32) -> (i32, i32) {
    %c0_i32 = arith.constant 0 : i32
    %c0_i32_0 = arith.constant 0 : i32
    %c0_i32_1 = arith.constant 0 : i32
    return %c0_i32, %c0_i32_0 : i32, i32
  }
  func.func @transform_2(%arg0: i32) -> (i32, i32) {
    %c0_i32 = arith.constant 0 : i32
    %c0_i32_0 = arith.constant 0 : i32
    return %arg0, %c0_i32 : i32, i32
  }
}

module attributes {stable_mosaic.version = 14 : i64} {
  func.func @body(%arg0: i32, %arg1: memref<1250x128xf32, #tpu.memory_space<vmem>>, %arg2: memref<1250x128xf32, #tpu.memory_space<vmem>>, %arg3: memref<1250x128xf32, #tpu.memory_space<vmem>>, %arg4: memref<1x128xf32, #tpu.memory_space<vmem>>, %arg5: memref<1x128xf32, #tpu.memory_space<vmem>>, %arg6: memref<1x128xf32, #tpu.memory_space<vmem>>, %arg7: memref<128x128xf32, #tpu.memory_space<vmem>>, %arg8: memref<1x128xf32, #tpu.memory_space<vmem>>, %arg9: memref<128x128xf32, #tpu.memory_space<vmem>>, %arg10: memref<1250x128xf32, #tpu.memory_space<vmem>>, %arg11: memref<1250x128xf32, #tpu.memory_space<vmem>>) attributes {dimension_semantics = [#tpu.dimension_semantics<arbitrary>], iteration_bounds = array<i64: 1>, scalar_prefetch = 0 : i64, scratch_operands = 0 : i64, tpu.core_type = #tpu.core_type<tc>, window_params = [{transform_indices = @transform_0, window_bounds = array<i64: 1250, 128>}, {transform_indices = @transform_1, window_bounds = array<i64: 1250, 128>}, {transform_indices = @transform_2, window_bounds = array<i64: 1250, 128>}, {pipeline_mode = #tpu.pipeline_mode<synchronous>, transform_indices = @transform_3, window_bounds = array<i64: 1, 128>}, {pipeline_mode = #tpu.pipeline_mode<synchronous>, transform_indices = @transform_4, window_bounds = array<i64: 1, 128>}, {pipeline_mode = #tpu.pipeline_mode<synchronous>, transform_indices = @transform_5, window_bounds = array<i64: 1, 128>}, {pipeline_mode = #tpu.pipeline_mode<synchronous>, transform_indices = @transform_6, window_bounds = array<i64: 128, 128>}, {pipeline_mode = #tpu.pipeline_mode<synchronous>, transform_indices = @transform_7, window_bounds = array<i64: 1, 128>}, {pipeline_mode = #tpu.pipeline_mode<synchronous>, transform_indices = @transform_8, window_bounds = array<i64: 128, 128>}, {transform_indices = @transform_9, window_bounds = array<i64: 1250, 128>}, {transform_indices = @transform_10, window_bounds = array<i64: 1250, 128>}]} {
    %get3A = arith.constant 0 : index
    %get3A_0 = arith.constant 0 : index
    %get3A_1 = vector.load %arg1[%get3A, %get3A_0] : memref<1250x128xf32, #tpu.memory_space<vmem>>, vector<1250x128xf32>
    %get3A_2 = arith.constant 0 : index
    %get3A_3 = arith.constant 0 : index
    %get3A_4 = vector.load %arg2[%get3A_2, %get3A_3] : memref<1250x128xf32, #tpu.memory_space<vmem>>, vector<1250x128xf32>
    %add3A = arith.addf %get3A_1, %get3A_4 : vector<1250x128xf32>
    %get3A_5 = arith.constant 0 : index
    %get3A_6 = arith.constant 0 : index
    %get3A_7 = vector.load %arg3[%get3A_5, %get3A_6] : memref<1250x128xf32, #tpu.memory_space<vmem>>, vector<1250x128xf32>
    %add3A_8 = arith.addf %add3A, %get3A_7 : vector<1250x128xf32>
    %get3A_9 = arith.constant 0 : index
    %get3A_10 = arith.constant 0 : index
    %get3A_11 = vector.load %arg4[%get3A_9, %get3A_10] : memref<1x128xf32, #tpu.memory_space<vmem>>, vector<1x128xf32>
    %add3A_12 = vector.broadcast %get3A_11 : vector<1x128xf32> to vector<1250x128xf32>
    %add3A_13 = arith.addf %add3A_8, %add3A_12 : vector<1250x128xf32>
    %get3A_14 = arith.constant 0 : index
    %get3A_15 = arith.constant 0 : index
    %get3A_16 = vector.load %arg5[%get3A_14, %get3A_15] : memref<1x128xf32, #tpu.memory_space<vmem>>, vector<1x128xf32>
    %mul3A = arith.constant 0.999994993 : f32
    %mul3A_17 = vector.broadcast %mul3A : f32 to vector<1250x128xf32>
    %mul3A_18 = arith.mulf %add3A_13, %mul3A_17 : vector<1250x128xf32>
    %mul3A_19 = vector.broadcast %get3A_16 : vector<1x128xf32> to vector<1250x128xf32>
    %mul3A_20 = arith.mulf %mul3A_19, %mul3A_18 : vector<1250x128xf32>
    %get3A_21 = arith.constant 0 : index
    %get3A_22 = arith.constant 0 : index
    %get3A_23 = vector.load %arg6[%get3A_21, %get3A_22] : memref<1x128xf32, #tpu.memory_space<vmem>>, vector<1x128xf32>
    %add3A_24 = vector.broadcast %get3A_23 : vector<1x128xf32> to vector<1250x128xf32>
    %add3A_25 = arith.addf %mul3A_20, %add3A_24 : vector<1250x128xf32>
    %gt3A = arith.constant 0.000000e+00 : f32
    %gt3A_26 = vector.broadcast %gt3A : f32 to vector<1250x128xf32>
    %gt3A_27 = arith.cmpf ogt, %add3A_25, %gt3A_26 : vector<1250x128xf32>
    %min3A = arith.constant 0.000000e+00 : f32
    %min3A_28 = vector.broadcast %min3A : f32 to vector<1250x128xf32>
    %min3A_29 = arith.minimumf %add3A_25, %min3A_28 : vector<1250x128xf32>
    %exp3A = math.exp %min3A_29 : vector<1250x128xf32>
    %sub3A = arith.constant 1.000000e+00 : f32
    %sub3A_30 = vector.broadcast %sub3A : f32 to vector<1250x128xf32>
    %sub3A_31 = arith.subf %exp3A, %sub3A_30 : vector<1250x128xf32>
    %select_n3A = arith.select %gt3A_27, %add3A_25, %sub3A_31 : vector<1250x128xi1>, vector<1250x128xf32>
    %get3A_32 = arith.constant 0 : index
    %get3A_33 = arith.constant 0 : index
    %get3A_34 = vector.load %arg7[%get3A_32, %get3A_33] : memref<128x128xf32, #tpu.memory_space<vmem>>, vector<128x128xf32>
    %dot_general3A = arith.constant dense<0.000000e+00> : vector<1250x128xf32>
    %dot_general3A_35 = tpu.matmul %select_n3A, %get3A_34, %dot_general3A {dimension_numbers = #tpu.dot_dimension_numbers<[1], [0], [0], [1], [0, 0, 1, 1], [], []>, transpose_lhs_hint = false} : vector<1250x128xf32>, vector<128x128xf32>, vector<1250x128xf32> -> vector<1250x128xf32>
    %get3A_36 = arith.constant 0 : index
    %get3A_37 = arith.constant 0 : index
    %get3A_38 = vector.load %arg8[%get3A_36, %get3A_37] : memref<1x128xf32, #tpu.memory_space<vmem>>, vector<1x128xf32>
    %add3A_39 = vector.broadcast %get3A_38 : vector<1x128xf32> to vector<1250x128xf32>
    %add3A_40 = arith.addf %dot_general3A_35, %add3A_39 : vector<1250x128xf32>
    %gt3A_41 = arith.constant 0.000000e+00 : f32
    %gt3A_42 = vector.broadcast %gt3A_41 : f32 to vector<1250x128xf32>
    %gt3A_43 = arith.cmpf ogt, %add3A_40, %gt3A_42 : vector<1250x128xf32>
    %min3A_44 = arith.constant 0.000000e+00 : f32
    %min3A_45 = vector.broadcast %min3A_44 : f32 to vector<1250x128xf32>
    %min3A_46 = arith.minimumf %add3A_40, %min3A_45 : vector<1250x128xf32>
    %exp3A_47 = math.exp %min3A_46 : vector<1250x128xf32>
    %sub3A_48 = arith.constant 1.000000e+00 : f32
    %sub3A_49 = vector.broadcast %sub3A_48 : f32 to vector<1250x128xf32>
    %sub3A_50 = arith.subf %exp3A_47, %sub3A_49 : vector<1250x128xf32>
    %select_n3A_51 = arith.select %gt3A_43, %add3A_40, %sub3A_50 : vector<1250x128xi1>, vector<1250x128xf32>
    %swap3A = arith.constant 0 : index
    %swap3A_52 = arith.constant 0 : index
    %swap3A_53 = vector.load %arg10[%swap3A, %swap3A_52] : memref<1250x128xf32, #tpu.memory_space<vmem>>, vector<1250x128xf32>
    tpu.vector_store %arg10[%swap3A, %swap3A_52], %select_n3A_51 {strides = array<i32>} : memref<1250x128xf32, #tpu.memory_space<vmem>>, vector<1250x128xf32>,
    %get3A_54 = arith.constant 0 : index
    %get3A_55 = arith.constant 0 : index
    %get3A_56 = vector.load %arg9[%get3A_54, %get3A_55] : memref<128x128xf32, #tpu.memory_space<vmem>>, vector<128x128xf32>
    %dot_general3A_57 = arith.constant dense<0.000000e+00> : vector<1250x128xf32>
    %dot_general3A_58 = tpu.matmul %select_n3A_51, %get3A_56, %dot_general3A_57 {dimension_numbers = #tpu.dot_dimension_numbers<[1], [0], [0], [1], [0, 0, 1, 1], [], []>, transpose_lhs_hint = false} : vector<1250x128xf32>, vector<128x128xf32>, vector<1250x128xf32> -> vector<1250x128xf32>
    %swap3A_59 = arith.constant 0 : index
    %swap3A_60 = arith.constant 0 : index
    %swap3A_61 = vector.load %arg11[%swap3A_59, %swap3A_60] : memref<1250x128xf32, #tpu.memory_space<vmem>>, vector<1250x128xf32>
    tpu.vector_store %arg11[%swap3A_59, %swap3A_60], %dot_general3A_58 {strides = array<i32>} : memref<1250x128xf32, #tpu.memory_space<vmem>>, vector<1250x128xf32>,
    return
  }
  func.func @transform_0(%arg0: i32) -> (i32, i32) {
    %c0_i32 = arith.constant 0 : i32
    %c0_i32_0 = arith.constant 0 : i32
    return %arg0, %c0_i32 : i32, i32
  }
  func.func @transform_1(%arg0: i32) -> (i32, i32) {
    %c0_i32 = arith.constant 0 : i32
    %c0_i32_0 = arith.constant 0 : i32
    return %arg0, %c0_i32 : i32, i32
  }
  func.func @transform_2(%arg0: i32) -> (i32, i32) {
    %c0_i32 = arith.constant 0 : i32
    %c0_i32_0 = arith.constant 0 : i32
    return %arg0, %c0_i32 : i32, i32
  }
  func.func @transform_3(%arg0: i32) -> (i32, i32) {
    %c0_i32 = arith.constant 0 : i32
    %c0_i32_0 = arith.constant 0 : i32
    %c0_i32_1 = arith.constant 0 : i32
    return %c0_i32, %c0_i32_0 : i32, i32
  }
  func.func @transform_4(%arg0: i32) -> (i32, i32) {
    %c0_i32 = arith.constant 0 : i32
    %c0_i32_0 = arith.constant 0 : i32
    %c0_i32_1 = arith.constant 0 : i32
    return %c0_i32, %c0_i32_0 : i32, i32
  }
  func.func @transform_5(%arg0: i32) -> (i32, i32) {
    %c0_i32 = arith.constant 0 : i32
    %c0_i32_0 = arith.constant 0 : i32
    %c0_i32_1 = arith.constant 0 : i32
    return %c0_i32, %c0_i32_0 : i32, i32
  }
  func.func @transform_6(%arg0: i32) -> (i32, i32) {
    %c0_i32 = arith.constant 0 : i32
    %c0_i32_0 = arith.constant 0 : i32
    %c0_i32_1 = arith.constant 0 : i32
    return %c0_i32, %c0_i32_0 : i32, i32
  }
  func.func @transform_7(%arg0: i32) -> (i32, i32) {
    %c0_i32 = arith.constant 0 : i32
    %c0_i32_0 = arith.constant 0 : i32
    %c0_i32_1 = arith.constant 0 : i32
    return %c0_i32, %c0_i32_0 : i32, i32
  }
  func.func @transform_8(%arg0: i32) -> (i32, i32) {
    %c0_i32 = arith.constant 0 : i32
    %c0_i32_0 = arith.constant 0 : i32
    %c0_i32_1 = arith.constant 0 : i32
    return %c0_i32, %c0_i32_0 : i32, i32
  }
  func.func @transform_9(%arg0: i32) -> (i32, i32) {
    %c0_i32 = arith.constant 0 : i32
    %c0_i32_0 = arith.constant 0 : i32
    return %arg0, %c0_i32 : i32, i32
  }
  func.func @transform_10(%arg0: i32) -> (i32, i32) {
    %c0_i32 = arith.constant 0 : i32
    %c0_i32_0 = arith.constant 0 : i32
    return %arg0, %c0_i32 : i32, i32
  }
}

module attributes {stable_mosaic.version = 14 : i64} {
  func.func @body(%arg0: i32, %arg1: memref<1250x128xf32, #tpu.memory_space<vmem>>, %arg2: memref<1250x128xf32, #tpu.memory_space<vmem>>, %arg3: memref<1250x128xf32, #tpu.memory_space<vmem>>, %arg4: memref<1250x128xf32, #tpu.memory_space<vmem>>, %arg5: memref<1x128xf32, #tpu.memory_space<vmem>>, %arg6: memref<1x128xf32, #tpu.memory_space<vmem>>, %arg7: memref<1x128xf32, #tpu.memory_space<vmem>>, %arg8: memref<128x128xf32, #tpu.memory_space<vmem>>, %arg9: memref<1x128xf32, #tpu.memory_space<vmem>>, %arg10: memref<128x128xf32, #tpu.memory_space<vmem>>, %arg11: memref<128x128xf32, #tpu.memory_space<vmem>>, %arg12: memref<1x128xf32, #tpu.memory_space<vmem>>, %arg13: memref<128x128xf32, #tpu.memory_space<vmem>>, %arg14: memref<1x128xf32, #tpu.memory_space<vmem>>, %arg15: memref<1250x128xf32, #tpu.memory_space<vmem>>) attributes {dimension_semantics = [#tpu.dimension_semantics<arbitrary>], iteration_bounds = array<i64: 1>, scalar_prefetch = 0 : i64, scratch_operands = 0 : i64, tpu.core_type = #tpu.core_type<tc>, window_params = [{transform_indices = @transform_0, window_bounds = array<i64: 1250, 128>}, {transform_indices = @transform_1, window_bounds = array<i64: 1250, 128>}, {transform_indices = @transform_2, window_bounds = array<i64: 1250, 128>}, {transform_indices = @transform_3, window_bounds = array<i64: 1250, 128>}, {pipeline_mode = #tpu.pipeline_mode<synchronous>, transform_indices = @transform_4, window_bounds = array<i64: 1, 128>}, {pipeline_mode = #tpu.pipeline_mode<synchronous>, transform_indices = @transform_5, window_bounds = array<i64: 1, 128>}, {pipeline_mode = #tpu.pipeline_mode<synchronous>, transform_indices = @transform_6, window_bounds = array<i64: 1, 128>}, {pipeline_mode = #tpu.pipeline_mode<synchronous>, transform_indices = @transform_7, window_bounds = array<i64: 128, 128>}, {pipeline_mode = #tpu.pipeline_mode<synchronous>, transform_indices = @transform_8, window_bounds = array<i64: 1, 128>}, {pipeline_mode = #tpu.pipeline_mode<synchronous>, transform_indices = @transform_9, window_bounds = array<i64: 128, 128>}, {pipeline_mode = #tpu.pipeline_mode<synchronous>, transform_indices = @transform_10, window_bounds = array<i64: 128, 128>}, {pipeline_mode = #tpu.pipeline_mode<synchronous>, transform_indices = @transform_11, window_bounds = array<i64: 1, 128>}, {pipeline_mode = #tpu.pipeline_mode<synchronous>, transform_indices = @transform_12, window_bounds = array<i64: 128, 128>}, {pipeline_mode = #tpu.pipeline_mode<synchronous>, transform_indices = @transform_13, window_bounds = array<i64: 1, 128>}, {transform_indices = @transform_14, window_bounds = array<i64: 1250, 128>}]} {
    %get3A = arith.constant 0 : index
    %get3A_0 = arith.constant 0 : index
    %get3A_1 = vector.load %arg1[%get3A, %get3A_0] : memref<1250x128xf32, #tpu.memory_space<vmem>>, vector<1250x128xf32>
    %get3A_2 = arith.constant 0 : index
    %get3A_3 = arith.constant 0 : index
    %get3A_4 = vector.load %arg2[%get3A_2, %get3A_3] : memref<1250x128xf32, #tpu.memory_space<vmem>>, vector<1250x128xf32>
    %add3A = arith.addf %get3A_1, %get3A_4 : vector<1250x128xf32>
    %get3A_5 = arith.constant 0 : index
    %get3A_6 = arith.constant 0 : index
    %get3A_7 = vector.load %arg3[%get3A_5, %get3A_6] : memref<1250x128xf32, #tpu.memory_space<vmem>>, vector<1250x128xf32>
    %add3A_8 = arith.addf %add3A, %get3A_7 : vector<1250x128xf32>
    %get3A_9 = arith.constant 0 : index
    %get3A_10 = arith.constant 0 : index
    %get3A_11 = vector.load %arg5[%get3A_9, %get3A_10] : memref<1x128xf32, #tpu.memory_space<vmem>>, vector<1x128xf32>
    %add3A_12 = vector.broadcast %get3A_11 : vector<1x128xf32> to vector<1250x128xf32>
    %add3A_13 = arith.addf %add3A_8, %add3A_12 : vector<1250x128xf32>
    %get3A_14 = arith.constant 0 : index
    %get3A_15 = arith.constant 0 : index
    %get3A_16 = vector.load %arg6[%get3A_14, %get3A_15] : memref<1x128xf32, #tpu.memory_space<vmem>>, vector<1x128xf32>
    %mul3A = arith.constant 0.999994993 : f32
    %mul3A_17 = vector.broadcast %mul3A : f32 to vector<1250x128xf32>
    %mul3A_18 = arith.mulf %add3A_13, %mul3A_17 : vector<1250x128xf32>
    %mul3A_19 = vector.broadcast %get3A_16 : vector<1x128xf32> to vector<1250x128xf32>
    %mul3A_20 = arith.mulf %mul3A_19, %mul3A_18 : vector<1250x128xf32>
    %get3A_21 = arith.constant 0 : index
    %get3A_22 = arith.constant 0 : index
    %get3A_23 = vector.load %arg7[%get3A_21, %get3A_22] : memref<1x128xf32, #tpu.memory_space<vmem>>, vector<1x128xf32>
    %add3A_24 = vector.broadcast %get3A_23 : vector<1x128xf32> to vector<1250x128xf32>
    %add3A_25 = arith.addf %mul3A_20, %add3A_24 : vector<1250x128xf32>
    %gt3A = arith.constant 0.000000e+00 : f32
    %gt3A_26 = vector.broadcast %gt3A : f32 to vector<1250x128xf32>
    %gt3A_27 = arith.cmpf ogt, %add3A_25, %gt3A_26 : vector<1250x128xf32>
    %min3A = arith.constant 0.000000e+00 : f32
    %min3A_28 = vector.broadcast %min3A : f32 to vector<1250x128xf32>
    %min3A_29 = arith.minimumf %add3A_25, %min3A_28 : vector<1250x128xf32>
    %exp3A = math.exp %min3A_29 : vector<1250x128xf32>
    %sub3A = arith.constant 1.000000e+00 : f32
    %sub3A_30 = vector.broadcast %sub3A : f32 to vector<1250x128xf32>
    %sub3A_31 = arith.subf %exp3A, %sub3A_30 : vector<1250x128xf32>
    %select_n3A = arith.select %gt3A_27, %add3A_25, %sub3A_31 : vector<1250x128xi1>, vector<1250x128xf32>
    %get3A_32 = arith.constant 0 : index
    %get3A_33 = arith.constant 0 : index
    %get3A_34 = vector.load %arg8[%get3A_32, %get3A_33] : memref<128x128xf32, #tpu.memory_space<vmem>>, vector<128x128xf32>
    %dot_general3A = arith.constant dense<0.000000e+00> : vector<1250x128xf32>
    %dot_general3A_35 = tpu.matmul %select_n3A, %get3A_34, %dot_general3A {dimension_numbers = #tpu.dot_dimension_numbers<[1], [0], [0], [1], [0, 0, 1, 1], [], []>, transpose_lhs_hint = false} : vector<1250x128xf32>, vector<128x128xf32>, vector<1250x128xf32> -> vector<1250x128xf32>
    %get3A_36 = arith.constant 0 : index
    %get3A_37 = arith.constant 0 : index
    %get3A_38 = vector.load %arg9[%get3A_36, %get3A_37] : memref<1x128xf32, #tpu.memory_space<vmem>>, vector<1x128xf32>
    %add3A_39 = vector.broadcast %get3A_38 : vector<1x128xf32> to vector<1250x128xf32>
    %add3A_40 = arith.addf %dot_general3A_35, %add3A_39 : vector<1250x128xf32>
    %gt3A_41 = arith.constant 0.000000e+00 : f32
    %gt3A_42 = vector.broadcast %gt3A_41 : f32 to vector<1250x128xf32>
    %gt3A_43 = arith.cmpf ogt, %add3A_40, %gt3A_42 : vector<1250x128xf32>
    %min3A_44 = arith.constant 0.000000e+00 : f32
    %min3A_45 = vector.broadcast %min3A_44 : f32 to vector<1250x128xf32>
    %min3A_46 = arith.minimumf %add3A_40, %min3A_45 : vector<1250x128xf32>
    %exp3A_47 = math.exp %min3A_46 : vector<1250x128xf32>
    %sub3A_48 = arith.constant 1.000000e+00 : f32
    %sub3A_49 = vector.broadcast %sub3A_48 : f32 to vector<1250x128xf32>
    %sub3A_50 = arith.subf %exp3A_47, %sub3A_49 : vector<1250x128xf32>
    %select_n3A_51 = arith.select %gt3A_43, %add3A_40, %sub3A_50 : vector<1250x128xi1>, vector<1250x128xf32>
    %get3A_52 = arith.constant 0 : index
    %get3A_53 = arith.constant 0 : index
    %get3A_54 = vector.load %arg4[%get3A_52, %get3A_53] : memref<1250x128xf32, #tpu.memory_space<vmem>>, vector<1250x128xf32>
    %get3A_55 = arith.constant 0 : index
    %get3A_56 = arith.constant 0 : index
    %get3A_57 = vector.load %arg10[%get3A_55, %get3A_56] : memref<128x128xf32, #tpu.memory_space<vmem>>, vector<128x128xf32>
    %dot_general3A_58 = arith.constant dense<0.000000e+00> : vector<1250x128xf32>
    %dot_general3A_59 = tpu.matmul %get3A_54, %get3A_57, %dot_general3A_58 {dimension_numbers = #tpu.dot_dimension_numbers<[1], [0], [0], [1], [0, 0, 1, 1], [], []>, transpose_lhs_hint = false} : vector<1250x128xf32>, vector<128x128xf32>, vector<1250x128xf32> -> vector<1250x128xf32>
    %get3A_60 = arith.constant 0 : index
    %get3A_61 = arith.constant 0 : index
    %get3A_62 = vector.load %arg11[%get3A_60, %get3A_61] : memref<128x128xf32, #tpu.memory_space<vmem>>, vector<128x128xf32>
    %dot_general3A_63 = arith.constant dense<0.000000e+00> : vector<1250x128xf32>
    %dot_general3A_64 = tpu.matmul %select_n3A_51, %get3A_62, %dot_general3A_63 {dimension_numbers = #tpu.dot_dimension_numbers<[1], [0], [0], [1], [0, 0, 1, 1], [], []>, transpose_lhs_hint = false} : vector<1250x128xf32>, vector<128x128xf32>, vector<1250x128xf32> -> vector<1250x128xf32>
    %add3A_65 = arith.addf %dot_general3A_59, %dot_general3A_64 : vector<1250x128xf32>
    %get3A_66 = arith.constant 0 : index
    %get3A_67 = arith.constant 0 : index
    %get3A_68 = vector.load %arg12[%get3A_66, %get3A_67] : memref<1x128xf32, #tpu.memory_space<vmem>>, vector<1x128xf32>
    %add3A_69 = vector.broadcast %get3A_68 : vector<1x128xf32> to vector<1250x128xf32>
    %add3A_70 = arith.addf %add3A_65, %add3A_69 : vector<1250x128xf32>
    %max3A = arith.constant 0.000000e+00 : f32
    %max3A_71 = vector.broadcast %max3A : f32 to vector<1250x128xf32>
    %max3A_72 = arith.maximumf %add3A_70, %max3A_71 : vector<1250x128xf32>
    %get3A_73 = arith.constant 0 : index
    %get3A_74 = arith.constant 0 : index
    %get3A_75 = vector.load %arg13[%get3A_73, %get3A_74] : memref<128x128xf32, #tpu.memory_space<vmem>>, vector<128x128xf32>
    %dot_general3A_76 = arith.constant dense<0.000000e+00> : vector<1250x128xf32>
    %dot_general3A_77 = tpu.matmul %max3A_72, %get3A_75, %dot_general3A_76 {dimension_numbers = #tpu.dot_dimension_numbers<[1], [0], [0], [1], [0, 0, 1, 1], [], []>, transpose_lhs_hint = false} : vector<1250x128xf32>, vector<128x128xf32>, vector<1250x128xf32> -> vector<1250x128xf32>
    %get3A_78 = arith.constant 0 : index
    %get3A_79 = arith.constant 0 : index
    %get3A_80 = vector.load %arg14[%get3A_78, %get3A_79] : memref<1x128xf32, #tpu.memory_space<vmem>>, vector<1x128xf32>
    %add3A_81 = vector.broadcast %get3A_80 : vector<1x128xf32> to vector<1250x128xf32>
    %add3A_82 = arith.addf %dot_general3A_77, %add3A_81 : vector<1250x128xf32>
    %swap3A = arith.constant 0 : index
    %swap3A_83 = arith.constant 0 : index
    %swap3A_84 = vector.load %arg15[%swap3A, %swap3A_83] : memref<1250x128xf32, #tpu.memory_space<vmem>>, vector<1250x128xf32>
    tpu.vector_store %arg15[%swap3A, %swap3A_83], %add3A_82 {strides = array<i32>} : memref<1250x128xf32, #tpu.memory_space<vmem>>, vector<1250x128xf32>,
    return
  }
  func.func @transform_0(%arg0: i32) -> (i32, i32) {
    %c0_i32 = arith.constant 0 : i32
    %c0_i32_0 = arith.constant 0 : i32
    return %arg0, %c0_i32 : i32, i32
  }
  func.func @transform_1(%arg0: i32) -> (i32, i32) {
    %c0_i32 = arith.constant 0 : i32
    %c0_i32_0 = arith.constant 0 : i32
    return %arg0, %c0_i32 : i32, i32
  }
  func.func @transform_2(%arg0: i32) -> (i32, i32) {
    %c0_i32 = arith.constant 0 : i32
    %c0_i32_0 = arith.constant 0 : i32
    return %arg0, %c0_i32 : i32, i32
  }
  func.func @transform_3(%arg0: i32) -> (i32, i32) {
    %c0_i32 = arith.constant 0 : i32
    %c0_i32_0 = arith.constant 0 : i32
    return %arg0, %c0_i32 : i32, i32
  }
  func.func @transform_4(%arg0: i32) -> (i32, i32) {
    %c0_i32 = arith.constant 0 : i32
    %c0_i32_0 = arith.constant 0 : i32
    %c0_i32_1 = arith.constant 0 : i32
    return %c0_i32, %c0_i32_0 : i32, i32
  }
  func.func @transform_5(%arg0: i32) -> (i32, i32) {
    %c0_i32 = arith.constant 0 : i32
    %c0_i32_0 = arith.constant 0 : i32
    %c0_i32_1 = arith.constant 0 : i32
    return %c0_i32, %c0_i32_0 : i32, i32
  }
  func.func @transform_6(%arg0: i32) -> (i32, i32) {
    %c0_i32 = arith.constant 0 : i32
    %c0_i32_0 = arith.constant 0 : i32
    %c0_i32_1 = arith.constant 0 : i32
    return %c0_i32, %c0_i32_0 : i32, i32
  }
  func.func @transform_7(%arg0: i32) -> (i32, i32) {
    %c0_i32 = arith.constant 0 : i32
    %c0_i32_0 = arith.constant 0 : i32
    %c0_i32_1 = arith.constant 0 : i32
    return %c0_i32, %c0_i32_0 : i32, i32
  }
  func.func @transform_8(%arg0: i32) -> (i32, i32) {
    %c0_i32 = arith.constant 0 : i32
    %c0_i32_0 = arith.constant 0 : i32
    %c0_i32_1 = arith.constant 0 : i32
    return %c0_i32, %c0_i32_0 : i32, i32
  }
  func.func @transform_9(%arg0: i32) -> (i32, i32) {
    %c0_i32 = arith.constant 0 : i32
    %c0_i32_0 = arith.constant 0 : i32
    %c0_i32_1 = arith.constant 0 : i32
    return %c0_i32, %c0_i32_0 : i32, i32
  }
  func.func @transform_10(%arg0: i32) -> (i32, i32) {
    %c0_i32 = arith.constant 0 : i32
    %c0_i32_0 = arith.constant 0 : i32
    %c0_i32_1 = arith.constant 0 : i32
    return %c0_i32, %c0_i32_0 : i32, i32
  }
  func.func @transform_11(%arg0: i32) -> (i32, i32) {
    %c0_i32 = arith.constant 0 : i32
    %c0_i32_0 = arith.constant 0 : i32
    %c0_i32_1 = arith.constant 0 : i32
    return %c0_i32, %c0_i32_0 : i32, i32
  }
  func.func @transform_12(%arg0: i32) -> (i32, i32) {
    %c0_i32 = arith.constant 0 : i32
    %c0_i32_0 = arith.constant 0 : i32
    %c0_i32_1 = arith.constant 0 : i32
    return %c0_i32, %c0_i32_0 : i32, i32
  }
  func.func @transform_13(%arg0: i32) -> (i32, i32) {
    %c0_i32 = arith.constant 0 : i32
    %c0_i32_0 = arith.constant 0 : i32
    %c0_i32_1 = arith.constant 0 : i32
    return %c0_i32, %c0_i32_0 : i32, i32
  }
  func.func @transform_14(%arg0: i32) -> (i32, i32) {
    %c0_i32 = arith.constant 0 : i32
    %c0_i32_0 = arith.constant 0 : i32
    return %arg0, %c0_i32 : i32, i32
  }
}

</mosaic_0001>

<sc_bundles>
// kernel: kernel.10.cloned.1.call-start
scs
__scs_entry_jumppad:
0x0: {  	(pc) =	sbr.rel $0x88, $3  }
0x1: {  	(tag) =	ssettag $0x0;
	lr =	simm.s32 $0x1  }
0x2: {  	[smem:$0x3F8F] =	sst lr;
	_ =	strace $0xD0000000  }
0x3: {  	_ = 	snop  }
0x4: {  	_ = 	snop  }
0x5: {  	_ = 	snop  }
0x6: {  	_ = 	snop  }
0x7: {  	_ = 	snop  }
__scs_overlays_trampoline_lowered:
0x8: {  	[smem:$0x3F9E] =	sst s0  }
0x9: {  	[smem:$0x3F9F] =	sst s1  }
0xa: {  	[smem:$0x3FA0] =	sst s2  }
0xb: {  	[smem:$0x3FA1] =	sst s3  }
0xc: {  	[smem:$0x3FA2] =	sst s4  }
0xd: {  	[smem:$0x3FA3] =	sst s5  }
0xe: {  	[smem:$0x3FA4] =	sst s6  }
0xf: {  	[smem:$0x3FA5] =	sst s7  }
0x10: {  	[smem:$0x3FA6] =	sst s8  }
0x11: {  	[smem:$0x3FA7] =	sst s9;
	s0 =	simm.s32 @!p0 $0x0  }
0x12: {  	s1 =	sld [smem:$0x3F8D];
	s0 =	simm.s32 @p0 $0x1  }
0x13: {  	[smem:$0x3FA8] =	sst s0;
	s0 =	simm.s32 @!p1 $0x0  }
0x14: {  	s2 =	sld [smem:$0x3F8C];
	s0 =	simm.s32 @p1 $0x1  }
0x15: {  	[smem:$0x3FA9] =	sst s0;
	s0 =	simm.s32 @!p2 $0x0  }
0x16: {  	s3 =	sld [smem:$0x3FDB];
	s0 =	simm.s32 @p2 $0x1  }
0x17: {  	s4 =	simm.s32 $0x1BF5;
	[smem:$0x3FAB] =	sst s0  }
0x18: {  	s0 =	sld [smem:$0x3F8E];
	_ =	swait.ge [sflag:s4], $0x0  }
0x19: {  	s7 =	sld [smem:$0x3F8F]  }
0x1a: {  	s8 =	sadd.s32 $0xFFFFE003, lr  }
0x1b: {  	s9 =	sadd.s32 $0xFFFFFEF7, lr;
	s5 =	simm.s32 $0xFFFFFFFF;
	p2 =	slt.u32 s8, $0xFFFFF086  }
0x1c: {  	p1 =	slt.u32 s9, $0xF7A;
	s5 =	simm.s32 @!p2 $0x0  }
0x1d: {  	s5 =	simm.s32 @p1 $0x1;
	p0 =	seq.s32 s7, s2  }
0x1e: {  	s7 =	smul.u32 @!p0 $0xF7A, s2;
	p2 =	seq.s32 @!p0 s5, $0x0  }
0x1f: {  	s9 =	smul.u32 $0xF7A, s1;
	s8 =	simm.s32 @!p0 $0x1BF5;
	p2 =	por !p2, p0  }
0x20: {  	[sflag:s8] =	ssyncset.s32 @!p0 $0xFFFFF086;
	s6 =	sadd.s32 @!p0 s3, s7;
	s7 =	simm.s32 @!p0 $0x108  }
0x21: {  	s3 =	sadd.s32 s3, s9;
	s6 =	sadd.s32 @!p0 $0x88, s6;
	s7 =	simm.s32 @p2 $0x1082  }
0x22: {  	[simem:s7], [sflag:s8] =	dma.local @!p0 [hbm:s6], $0xF7A  }
0x23: {  	s9 =	sor.u32 $0xD0000000, s2;
	s6 =	simm.s32 $0x108;
	_ =	swait.ge @!p0 [sflag:s8], $0x0  }
0x24: {  	s3 =	sadd.s32 $0x88, s3;
	s6 =	simm.s32 @!p1 $0x1082;
	[sflag:s4] =	ssyncset.s32 $0xFFFFF086  }
0x25: {  	[simem:s6], [sflag:s4] =	dma.local [hbm:s3], $0xF7A  }
0x26: {  	[smem:$0x3F8F] =	sst s1;
	(tag) =	ssettag s2;
	_ =	strace s9  }
0x27: {  	s1 =	sld [smem:$0x3F9F]  }
0x28: {  	s2 =	sld [smem:$0x3FA0]  }
0x29: {  	s4 =	sld [smem:$0x3FA2]  }
0x2a: {  	p0 =	seq.s32 s5, $0x0;
	s5 =	sld [smem:$0x3FA3]  }
0x2b: {  	s6 =	sld [smem:$0x3FA4]  }
0x2c: {  	s7 =	sld [smem:$0x3FA5]  }
0x2d: {  	s3 =	simm.s32 $0x108;
	s8 =	sld [smem:$0x3FA6]  }
0x2e: {  	s3 =	simm.s32 @!p0 $0x1082;
	s9 =	sld [smem:$0x3FA7]  }
0x2f: {  	lr =	sadd.s32 s0, s3;
	s0 =	sld [smem:$0x3F9E]  }
0x30: {  	s3 =	sld [smem:$0x3FA1]  }
0x31: {  	[smem:$0x3FAA] =	sst s10  }
0x32: {  	s10 =	sld [smem:$0x3FA8];
	_ =	sdelay $0x3  }
0x33: {  	p0 =	seq.s32 s10, $0x1;
	s10 =	sld [smem:$0x3FAA];
	_ =	sdelay $0x3  }
0x34: {  	[smem:$0x3FAA] =	sst s10  }
0x35: {  	s10 =	sld [smem:$0x3FA9];
	_ =	sdelay $0x3  }
0x36: {  	p1 =	seq.s32 s10, $0x1;
	s10 =	sld [smem:$0x3FAA];
	_ =	sdelay $0x3  }
0x37: {  	[smem:$0x3FAA] =	sst s10  }
0x38: {  	s10 =	sld [smem:$0x3FAB]  }
0x39: {  	_ = 	snop;
	(pc) =	sbr.ind lr, $3  }
0x3a: {  	_ = 	snop  }
0x3b: {  	_ = 	snop  }
0x3c: {  	p2 =	seq.s32 s10, $0x1;
	s10 =	sld [smem:$0x3FAA]  }
0x3d: {  	_ =	shalt  }
0x3e: {  	_ =	shalt  }
0x3f: {  	_ =	shalt  }
0x40: {  	_ =	shalt  }
0x41: {  	_ =	shalt  }
0x42: {  	_ =	shalt  }
0x43: {  	_ =	shalt  }
0x44: {  	_ =	shalt  }
0x45: {  	_ =	shalt  }
0x46: {  	_ =	shalt  }
0x47: {  	_ =	shalt  }
0x48: {  	_ =	shalt  }
0x49: {  	_ =	shalt  }
0x4a: {  	_ =	shalt  }
0x4b: {  	_ =	shalt  }
0x4c: {  	_ =	shalt  }
0x4d: {  	_ =	shalt  }
0x4e: {  	_ =	shalt  }
0x4f: {  	_ =	shalt  }
0x50: {  	_ =	shalt  }
0x51: {  	_ =	shalt  }
0x52: {  	_ =	shalt  }
0x53: {  	_ =	shalt  }
0x54: {  	_ =	shalt  }
0x55: {  	_ =	shalt  }
0x56: {  	_ =	shalt  }
0x57: {  	_ =	shalt  }
0x58: {  	_ =	shalt  }
0x59: {  	_ =	shalt  }
0x5a: {  	_ =	shalt  }
0x5b: {  	_ =	shalt  }
0x5c: {  	_ =	shalt  }
0x5d: {  	_ =	shalt  }
0x5e: {  	_ =	shalt  }
0x5f: {  	_ =	shalt  }
0x60: {  	_ =	shalt  }
0x61: {  	_ =	shalt  }
0x62: {  	_ =	shalt  }
0x63: {  	_ =	shalt  }
0x64: {  	_ =	shalt  }
0x65: {  	_ =	shalt  }
0x66: {  	_ =	shalt  }
0x67: {  	_ =	shalt  }
0x68: {  	_ =	shalt  }
0x69: {  	_ =	shalt  }
0x6a: {  	_ =	shalt  }
0x6b: {  	_ =	shalt  }
0x6c: {  	_ =	shalt  }
0x6d: {  	_ =	shalt  }
0x6e: {  	_ =	shalt  }
0x6f: {  	_ =	shalt  }
0x70: {  	_ =	shalt  }
0x71: {  	_ =	shalt  }
0x72: {  	_ =	shalt  }
0x73: {  	_ =	shalt  }
0x74: {  	_ =	shalt  }
0x75: {  	_ =	shalt  }
0x76: {  	_ =	shalt  }
0x77: {  	_ =	shalt  }
0x78: {  	_ =	shalt  }
0x79: {  	_ =	shalt  }
0x7a: {  	_ =	shalt  }
0x7b: {  	_ =	shalt  }
0x7c: {  	_ =	shalt  }
0x7d: {  	_ =	shalt  }
0x7e: {  	_ =	shalt  }
0x7f: {  	_ =	shalt  }
0x80: {  	_ =	shalt  }
0x81: {  	_ =	shalt  }
0x82: {  	_ =	shalt  }
0x83: {  	_ =	shalt  }
0x84: {  	_ =	shalt  }
0x85: {  	_ =	shalt  }
0x86: {  	_ =	shalt  }
0x87: {  	_ =	shalt  }
.Lfunc_end0:
.L_simem_size_0:
called_computation.1_lowered:
.L_overlay_start_0:
0x88: {  	s2 =	sld [smem:$0x3FD9]  }
0x89: {  	s3 =	sld [smem:$0x3FFE];
	_ =	sdelay $0x1  }
0x8a: {  	s1 =	srdreg.scid  }
0x8b: {  	s0 =	sand.u32 $0x1, s1  }
0x8c: {  	s17 =	sshll.u32 s0, $0xA;
	s2 =	sadd.s32 s3, s2  }
0x8d: {  	s2 =	sadd.s32 s2, s17  }
0x8e: {  	[smem:$0x3FB6] =	sst s2  }
0x8f: {  	_ = 	snop  }
0x90: {  	s2 =	sld [smem:$0x3FD0];
	(tm) =	ssettm $0x1  }
0x91: {  	s18 =	sld [smem:$0x3FFB];
	_ =	sdelay $0x3  }
0x92: {  	_ =	strace s18  }
0x93: {  	s3 =	sld [smem:$0x3FFC];
	_ =	sdelay $0x3  }
0x94: {  	_ =	strace s3  }
0x95: {  	s3 =	sld [smem:$0x3FFD];
	_ =	sdelay $0x3  }
0x96: {  	_ =	strace s3  }
0x97: {  	_ =	strace $0x8FFFFFFF  }
0x98: {  	s19 =	sld [smem:$0x3FDB];
	_ =	sdelay $0x1  }
0x99: {  	s4 =	simm.s32 $_scs_section_size  }
0x9a: {  	s5 =	simm.s32 $_size__tile_overlayer_lowered;
	s6 =	simm.s32 $_tile_overlayer_lowered  }
0x9b: {  	s22 =	simm.s32 $0x1BFF;
	s21 =	sshll.u32 s6, $0x1;
	s3 =	sadd.s32 s4, s19  }
0x9c: {  	s7 =	simm.s32 $0x0;
	s20 =	sshll.u32 s5, $0x1;
	s5 =	sadd.s32 s21, s3  }
0x9d: {  	[timem:s7], [sflag:s22] =	dma.local [hbm:s5], s20  }
0x9e: {  	_ =	swait.ge [sflag:s22], s20  }
0x9f: {  	s4 =	ssub.s32 $0x0, s20;
	[sflag:s22] =	ssyncset.done $0x0  }
0xa0: {  	[sflag:s22] =	ssyncadd.s32 s4;
	_ =	sdelay $0x1  }
0xa1: {  	s23 =	simm.s32 $0x1B8B  }
0xa2: {  	_ =	swait.ge [sflag:s23], $0x1  }
0xa3: {  	[sflag:s23] =	ssyncset.done $0x0  }
0xa4: {  	s25 =	simm.s32 $0x1B8E;
	s24 =	sld [smem:$0x3FFE];
	[sflag:s23] =	ssyncadd.s32 $0xFFFFFFFF  }
0xa5: {  	s26 =	simm.s32 $execute0_lowered;
	[smem:$0x3FD2] =	sst s25  }
0xa6: {  	s5 =	sshll.u32 s26, $0x1;
	_ =	strace $0x80000049;
	[dreg:$0x1] =	wrdreg $0xFFFFFFFF  }
0xa7: {  	s28 =	simm.s32 $_size_execute0_lowered;
	s3 =	sadd.s32 s3, s5;
	[dreg:$0x0] =	wrdreg $0x0  }
0xa8: {  	s5 =	sshll.u32 s28, $0x1;
	[dreg:$0x2] =	wrdreg s3  }
0xa9: {  	[dreg:$0x3] =	wrdreg s5  }
0xaa: {  	[dreg:$0x4] =	wrdreg $0xC0  }
0xab: {  	_ =	task [dreg:s7], $0x5FFFF  }
0xac: {  	[dreg:$0x1] =	wrdreg $0xFFFFFFFF  }
0xad: {  	[dreg:$0x0] =	wrdreg $0x60  }
0xae: {  	[dreg:$0x2] =	wrdreg s2  }
0xaf: {  	[dreg:$0x3] =	wrdreg s24  }
0xb0: {  	[dreg:$0x4] =	wrdreg $0x1CD200  }
0xb1: {  	[dreg:$0x5] =	wrdreg $0x9  }
0xb2: {  	_ =	task.clear_ibuf [dreg:s7], $0x6FFFF;
	_ =	strace $0x90000049  }
0xb3: {  	s29 =	simm.s32 $0x9;
	_ =	strace $0x8000004B  }
0xb4: {  	_ =	swait.ge [sflag:s29], $0x1  }
0xb5: {  	[sflag:s29] =	ssyncadd.s32 $0xFFFFFFFF  }
0xb6: {  	_ =	strace $0x9000004B  }
0xb7: {  	_ =	sfence  }
0xb8: {  	s30 =	sld [smem:$0x0];
	_ =	sdelay $0x2  }
0xb9: {  	s31 =	sshll.u32 s1, $0xD;
	s1 =	sshrl.u32 s1, $0x2  }
0xba: {  	s3 =	sand.u32 $0x4000, s31;
	s1 =	sadd.s32 s1, s30  }
0xbb: {  	s0 =	sor.u32 s3, s0;
	s1 =	sshll.u32 s1, $0x11  }
0xbc: {  	s0 =	sor.u32 s1, s0  }
0xbd: {  	s0 =	sadd.s32 $0x8F2B, s0  }
0xbe: {  	[sflag:s0] =	ssyncadd.remote.s32 $0x1  }
0xbf: {  	_ =	sfence.sel $0xFFFF  }
0xc0: {  	[dreg:$0x0] =	wrdreg $0xFFFFFFFF;
	(pc) =	sbr.abs _section_cstart, $3  }
0xc1: {  	[dreg:$0x1] =	wrdreg $0xFFFFFFFF  }
0xc2: {  	_ =	task.clear_ibuf [dreg:s7], $0x2FFFF;
	_ =	strace $0x9FFFFFFF  }
0xc3: {  	(tm) =	ssettm $0x7FFFFFFF  }
tec
execute0_lowered:
.L_overlay_start_1:
0x0: {  	(tag) =	ssettag $0x1  }
0x1: {  	s0 =	rddreg [dreg:$0x0]  }
0x2: {  	s2 =	rddreg [dreg:$0x1]  }
0x3: {  	s1 =	srdreg.scid;
	s3 =	rddreg [dreg:$0x2]  }
0x4: {  	s14 =	stileid.u32;
	s4 =	simm.s32 $0x0;
	s18 =	simm.s32 $0x7  }
0x5: {  	s19 =	simm.s32 $0x2710;
	s20 =	simm.s32 $0x1C520;
	s28 =	simm.s32 $0x14820  }
0x6: {  	s29 =	simm.s32 $0x2;
	s31 =	simm.s32 $0x4;
	s30 =	simm.s32 $0x0  }
0x7: {  	s1 =	sand.u32 $0x1, s1;
	[smem:$0x7FF] =	sst s4;
	s7 =	smul.u32 $0xA000, s14  }
0x8: {  	s15 =	sadd.s32 $0x18000, s2;
	s16 =	sadd.s32 $0x1D000, s2;
	s23 =	smul.u32 $0x2700, s14  }
0x9: {  	s26 =	sadd.s32 $0x27000, s3;
	p1 =	sne.s32 s14, $0xF;
	p2 =	seq.s32 s14, $0xF  }
0xa: {  	s5 =	sshll.u32 s1, $0x4;
	_ =	strace $0x8000004A;
	[dreg:$0x4] =	wrdreg s15  }
0xb: {  	s6 =	ssub.s32 $0x2, s1;
	p0 =	seq.s32 s1, $0x1;
	[dreg:$0x5] =	wrdreg s16  }
0xc: {  	s1 =	sshrl.u32 s26, $0x3;
	s26 =	simm.s32 $0x6;
	s5 =	sor.u32 s14, s5  }
0xd: {  	s8 =	sshrl.u32 s6, $0x1;
	s22 =	sshrl.u32 s7, $0x2;
	s24 =	sshrl.u32 s23, $0x3  }
0xe: {  	[dreg:$0x8] =	wrdreg s1;
	s5 =	smul.u32 $0x2710, s5;
	s21 =	ssub.s32 s6, s8  }
0xf: {  	s8 =	sadd.s32 s22, s3;
	s25 =	sadd.s32 s15, s24;
	s15 =	sadd.s32 s23, s3  }
0x10: {  	s22 =	simm.s32 $0x4E20;
	s23 =	simm.s32 $0xCB20;
	s6 =	simm.s32 $0x5  }
0x11: {  	s10 =	sadd.s32 $0x800, s8;
	s11 =	sadd.s32 $0x1000, s8;
	s12 =	sadd.s32 $0x1800, s8  }
.Ltmp0:
0x12: {  	s13 =	sadd.s32 $0x2000, s8;
	[dreg:$0x6] =	wrdreg s25;
	(pc) =	sbr.rel .LBB2_1-.Ltmp0, $4  }
0x13: {  	s17 =	smax.u32 s21, $0x1;
	s21 =	simm.s32 $0x7D0;
	s5 =	sshrl.u32 s5, $0x3  }
0x14: {  	s25 =	simm.s32 $0x4650;
	s5 =	sadd.s32 s5, s2;
	s2 =	simm.s32 $0x3  }
0x15: {  	s7 =	sadd.s32 $0x4600, s5;
	s9 =	sadd.s32 $0xE240, s5;
	s5 =	sadd.s32 s16, s24  }
0x16: {  	v0 =	vimm.f32 $0.0e+00;
	s24 =	simm.s32 $0x1;
	s16 =	simm.s32 $0x3E80;
	[dreg:$0x7] =	wrdreg s5  }
.LBB2_6:
0x17: {  	s5 =	sadd.s32 $0x4E00, s5;
	s14 =	rddreg [dreg:$0x8]  }
0x18: {  	[hbm:s5], [sflag:s1] =	dma.local [spmem:s14], $0x20  }
0x19: {  	_ =	swait.ge [sflag:s18], $0x20  }
0x1a: {  	[sflag:s18] =	ssyncset.done $0x0  }
0x1b: {  	[sflag:s18] =	ssyncadd.s32 $0xFFFFFFE0  }
.LBB2_7:
0x1c: {  	s30 =	sadd.s32 $0x1, s30  }
0x1d: {  	p3 =	sne.s32 s30, s17  }
.Ltmp1:
0x1e: {  	_ = 	snop;
	(pc) =	sbr.rel @!p3 .LBB2_8-.Ltmp1, $1  }
0x1f: {  	_ =	sdelay $0x3  }
.LBB2_1:
0x20: {  	[tilespmem:s4], [sflag:$0x7] =	stream.linear.gather [hbm4b:s7+s4], $0x2710, $0x38;
	[tilespmem:$0x1F520] =	vst v63  }
0x21: {  	_ =	swait.ge [sflag:s18], $0x2710  }
0x22: {  	[sflag:s18] =	ssyncset.done $0x0  }
0x23: {  	[sflag:s18] =	ssyncadd.s32 $0xFFFFD8F0  }
0x24: {  	[tilespmem:s19], [sflag:$0x7] =	stream.linear.gather [hbm4b:s9+s4], $0x2710, $0x38;
	[tilespmem:$0x1F520] =	vst v63  }
0x25: {  	_ =	swait.ge [sflag:s18], $0x2710  }
0x26: {  	[sflag:s18] =	ssyncset.done $0x0  }
0x27: {  	s1 =	simm.s32 $0x40;
	s5 =	simm.s32 $0x0;
	[sflag:s18] =	ssyncadd.s32 $0xFFFFD8F0  }
.LBB2_2:
0x28: {  	p3 =	sne.s32 s1, $0x1FC0;
	[tilespmem:s5+$0x1C520] =	vst v0;
	s5 =	smov.u32 s1;
	s1 =	sadd.s32 $0x40, s1  }
.Ltmp2:
0x29: {  	(pc) =	sbr.rel @p3 .LBB2_2-.Ltmp2, $2  }
0x2a: {  	_ =	sdelay $0x2  }
0x2b: {  	s5 =	sshra.s32 s5, $0x2  }
0x2c: {  	[tilespmem:s5+$0x1C520] =	vst v0  }
0x2d: {  	[spmem:s8] =	stream.linear.scatter [tilespmem:s20], [sflag:$0x7], $0x800, $0x38;
	[tilespmem:$0x1F520] =	vst v63  }
0x2e: {  	_ =	swait.ge [sflag:s18], $0x800  }
0x2f: {  	[sflag:s18] =	ssyncset.done $0x0  }
0x30: {  	[sflag:s18] =	ssyncadd.s32 $0xFFFFF800  }
0x31: {  	[spmem:s10] =	stream.linear.scatter [tilespmem:s20], [sflag:$0x7], $0x800, $0x38;
	[tilespmem:$0x1F520] =	vst v63  }
0x32: {  	_ =	swait.ge [sflag:s18], $0x800  }
0x33: {  	[sflag:s18] =	ssyncset.done $0x0  }
0x34: {  	[sflag:s18] =	ssyncadd.s32 $0xFFFFF800  }
0x35: {  	[spmem:s11] =	stream.linear.scatter [tilespmem:s20], [sflag:$0x7], $0x800, $0x38;
	[tilespmem:$0x1F520] =	vst v63  }
0x36: {  	_ =	swait.ge [sflag:s18], $0x800  }
0x37: {  	[sflag:s18] =	ssyncset.done $0x0  }
0x38: {  	[sflag:s18] =	ssyncadd.s32 $0xFFFFF800  }
0x39: {  	[spmem:s12] =	stream.linear.scatter [tilespmem:s20], [sflag:$0x7], $0x800, $0x38;
	[tilespmem:$0x1F520] =	vst v63  }
0x3a: {  	_ =	swait.ge [sflag:s18], $0x800  }
0x3b: {  	[sflag:s18] =	ssyncset.done $0x0  }
0x3c: {  	[sflag:s18] =	ssyncadd.s32 $0xFFFFF800  }
0x3d: {  	[spmem:s13] =	stream.linear.scatter [tilespmem:s20], [sflag:$0x7], $0x800, $0x38;
	[tilespmem:$0x1F520] =	vst v63  }
0x3e: {  	_ =	swait.ge [sflag:s18], $0x800  }
0x3f: {  	[sflag:s18] =	ssyncset.done $0x0  }
0x40: {  	[sflag:s18] =	ssyncadd.s32 $0xFFFFF800  }
0x41: {  	[bflag:$0x0] =	sbarrier.arrive $0xFFFF  }
0x42: {  	[tilespmem:s22], [sflag:$0x1] =	stream.indirect.gather [hbm4b:s0+s21], $0x10, s4, s21, $0xb8;
	[tilespmem:$0x1F520] =	vst v63  }
0x43: {  	_ = 	snop  }
0x44: {  	[tilespmem:s23], [sflag:$0x2] =	stream.indirect.gather [hbm4b:s0+s21], $0x10, s21, s21, $0xb8;
	[tilespmem:$0x1F520] =	vst v63  }
0x45: {  	_ =	swait.ge [sflag:s24], $0x7D00  }
0x46: {  	[sflag:s24] =	ssyncset.done $0x0  }
0x47: {  	[sflag:s24] =	ssyncadd.s32 $0xFFFF8300  }
0x48: {  	[spmem:s3] =	stream.indirect.scatter.add.f32 [tilespmem:s22], [sflag:$0x4], $0x10, s19, s21, $0xb8;
	[tilespmem:$0x1F520] =	vst v63  }
0x49: {  	s1 =	simm.s32 $0xFA0  }
0x4a: {  	[tilespmem:s28], [sflag:$0x3] =	stream.indirect.gather [hbm4b:s0+s21], $0x10, s1, s21, $0xb8;
	[tilespmem:$0x1F520] =	vst v63  }
0x4b: {  	_ =	swait.ge [sflag:s29], $0x7D00  }
0x4c: {  	[sflag:s29] =	ssyncset.done $0x0  }
0x4d: {  	s14 =	simm.s32 $0x2EE0;
	[sflag:s29] =	ssyncadd.s32 $0xFFFF8300  }
0x4e: {  	[spmem:s3] =	stream.indirect.scatter.add.f32 [tilespmem:s23], [sflag:$0x5], $0x10, s14, s21, $0xb8;
	[tilespmem:$0x1F520] =	vst v63  }
0x4f: {  	_ =	swait.ge [sflag:s31], $0x7D00  }
0x50: {  	[sflag:s31] =	ssyncset.done $0x0  }
0x51: {  	s5 =	simm.s32 $0x1770;
	[sflag:s31] =	ssyncadd.s32 $0xFFFF8300  }
0x52: {  	[tilespmem:s22], [sflag:$0x1] =	stream.indirect.gather [hbm4b:s0+s21], $0x10, s5, s21, $0xb8;
	[tilespmem:$0x1F520] =	vst v63  }
0x53: {  	_ =	swait.ge [sflag:s2], $0x7D00  }
0x54: {  	[sflag:s2] =	ssyncset.done $0x0  }
0x55: {  	s14 =	simm.s32 $0x36B0;
	[sflag:s2] =	ssyncadd.s32 $0xFFFF8300  }
0x56: {  	[spmem:s3] =	stream.indirect.scatter.add.f32 [tilespmem:s28], [sflag:$0x6], $0x10, s14, s21, $0xb8;
	[tilespmem:$0x1F520] =	vst v63  }
0x57: {  	_ =	swait.ge [sflag:s6], $0x7D00  }
0x58: {  	[sflag:s6] =	ssyncset.done $0x0  }
0x59: {  	s5 =	simm.s32 $0x1F40;
	[sflag:s6] =	ssyncadd.s32 $0xFFFF8300  }
0x5a: {  	[tilespmem:s23], [sflag:$0x2] =	stream.indirect.gather [hbm4b:s0+s21], $0x10, s5, s21, $0xb8;
	[tilespmem:$0x1F520] =	vst v63  }
0x5b: {  	_ =	swait.ge [sflag:s24], $0x7D00  }
0x5c: {  	[sflag:s24] =	ssyncset.done $0x0  }
0x5d: {  	[sflag:s24] =	ssyncadd.s32 $0xFFFF8300  }
0x5e: {  	[spmem:s3] =	stream.indirect.scatter.add.f32 [tilespmem:s22], [sflag:$0x4], $0x10, s16, s21, $0xb8;
	[tilespmem:$0x1F520] =	vst v63  }
0x5f: {  	_ =	swait.ge [sflag:s26], $0x7D00  }
0x60: {  	[sflag:s26] =	ssyncset.done $0x0  }
0x61: {  	[sflag:s26] =	ssyncadd.s32 $0xFFFF8300  }
0x62: {  	_ =	swait.ge [sflag:s29], $0x7D00  }
0x63: {  	[sflag:s29] =	ssyncset.done $0x0  }
0x64: {  	[sflag:s29] =	ssyncadd.s32 $0xFFFF8300  }
0x65: {  	[spmem:s3] =	stream.indirect.scatter.add.f32 [tilespmem:s23], [sflag:$0x5], $0x10, s25, s21, $0xb8;
	[tilespmem:$0x1F520] =	vst v63  }
0x66: {  	_ =	swait.ge [sflag:s31], $0x7D00  }
0x67: {  	[sflag:s31] =	ssyncset.done $0x0  }
0x68: {  	[sflag:s31] =	ssyncadd.s32 $0xFFFF8300  }
.Ltmp3:
0x69: {  	_ =	swait.ge [sflag:s6], $0x7D00;
	(pc) =	sbr.rel @!p0 .LBB2_4-.Ltmp3, $4  }
0x6a: {  	[sflag:s6] =	ssyncset.done $0x0  }
0x6b: {  	s14 =	stileid.u32;
	[sflag:s6] =	ssyncadd.s32 $0xFFFF8300  }
0x6c: {  	s14 =	sshll.u32 s14, $0x6;
	[bflag:$0x0] =	sbarrier.arrive $0xFFFF  }
0x6d: {  	s1 =	sor.u32 $0x1C07, s14;
	s5 =	sshrl.u32 s15, $0x3  }
0x6e: {  	s1 =	sor.u32 $0x1C07, s14;
	s14 =	rddreg [dreg:$0x7]  }
0x6f: {  	[hbm:s14], [sflag:s1] =	dma.local [spmem:s5], $0x4E0  }
.Ltmp4:
0x70: {  	_ = 	snop;
	(pc) =	sbr.rel @p1 .LBB2_7-.Ltmp4, $4  }
.Ltmp5:
0x71: {  	_ = 	snop;
	(pc) =	sbr.rel @!p1 .LBB2_6-.Ltmp5, $4  }
0x72: {  	_ =	swait.ge [sflag:s18], $0x4E0  }
0x73: {  	[sflag:s18] =	ssyncset.done $0x0  }
0x74: {  	s5 =	rddreg [dreg:$0x5];
	[sflag:s18] =	ssyncadd.s32 $0xFFFFFB20  }
0x75: {  	_ = 	snop  }
.LBB2_4:
0x76: {  	s14 =	rddreg [dreg:$0x6]  }
0x77: {  	[hbm:s14], [sflag:s1] =	dma.local [spmem:s5], $0x4E0  }
.Ltmp6:
0x78: {  	_ = 	snop;
	(pc) =	sbr.rel @p2 .LBB2_6-.Ltmp6, $4  }
.Ltmp7:
0x79: {  	_ = 	snop;
	(pc) =	sbr.rel @!p2 .LBB2_7-.Ltmp7, $4  }
0x7a: {  	_ =	swait.ge [sflag:s18], $0x4E0  }
0x7b: {  	[sflag:s18] =	ssyncset.done $0x0  }
0x7c: {  	s5 =	rddreg [dreg:$0x4];
	[sflag:s18] =	ssyncadd.s32 $0xFFFFFB20  }
0x7d: {  	_ = 	snop  }
.LBB2_8:
0x7e: {  	_ =	sfence.sel $0x180000  }
0x7f: {  	[bflag:$0x0] =	sbarrier.arrive $0xFFFF  }
0x80: {  	_ =	strace $0x9000004A  }
0x81: {  	s0 =	stileid.u32;
	[bflag:$0x2] =	sbarrier.arrive $0xFFFF  }
0x82: {  	p0 =	sne.s32 s0, $0x0;
	s0 =	rddreg [dreg:$0x3]  }
0x83: {  	s0 =	sadd.s32 @!p0 $0x100000, s0  }
0x84: {  	[sflag:s0] =	ssyncadd.tile.s32 @!p0 $0x1;
	_ =	shalt  }
.Lfunc_end2:
_tile_overlayer_lowered:
.L_overlay_start_2:
0x85: {  	(tag) =	ssettag $0x2  }
0x86: {  	s0 =	rddreg [dreg:$0x0];
	s2 =	stileid.u32  }
0x87: {  	s1 =	rddreg [dreg:$0x1];
	p0 =	sne.s32 s2, $0x0  }
0x88: {  	s3 =	rddreg [dreg:$0x2];
	[bflag:$0x3] =	sbarrier.arrive $0xFFFF;
	s2 =	simm.s32 @!p0 $0x1C07  }
0x89: {  	[timem:s3], [sflag:s2] =	dma.local @!p0 [hbm:s0], s1  }
0x8a: {  	s0 =	simm.s32 @!p0 $0x7  }
0x8b: {  	_ =	swait.ge @!p0 [sflag:s0], s1  }
0x8c: {  	s1 =	ssub.s32 @!p0 $0x0, s1;
	[sflag:s0] =	ssyncset.done @!p0 $0x0  }
0x8d: {  	[sflag:s0] =	ssyncadd.s32 @!p0 s1  }
0x8e: {  	[bflag:$0x3] =	sbarrier.arrive $0xFFFF  }
0x8f: {  	_ =	shalt  }

// kernel: kernel.7.cloned.1.call-start
scs
__scs_entry_jumppad:
0x0: {  	(pc) =	sbr.rel $0x88, $3  }
0x1: {  	(tag) =	ssettag $0x0;
	lr =	simm.s32 $0x1  }
0x2: {  	[smem:$0x3F8F] =	sst lr;
	_ =	strace $0xD0000000  }
0x3: {  	_ = 	snop  }
0x4: {  	_ = 	snop  }
0x5: {  	_ = 	snop  }
0x6: {  	_ = 	snop  }
0x7: {  	_ = 	snop  }
__scs_overlays_trampoline_lowered:
0x8: {  	[smem:$0x3F9E] =	sst s0  }
0x9: {  	[smem:$0x3F9F] =	sst s1  }
0xa: {  	[smem:$0x3FA0] =	sst s2  }
0xb: {  	[smem:$0x3FA1] =	sst s3  }
0xc: {  	[smem:$0x3FA2] =	sst s4  }
0xd: {  	[smem:$0x3FA3] =	sst s5  }
0xe: {  	[smem:$0x3FA4] =	sst s6  }
0xf: {  	[smem:$0x3FA5] =	sst s7  }
0x10: {  	[smem:$0x3FA6] =	sst s8  }
0x11: {  	[smem:$0x3FA7] =	sst s9;
	s0 =	simm.s32 @!p0 $0x0  }
0x12: {  	s1 =	sld [smem:$0x3F8D];
	s0 =	simm.s32 @p0 $0x1  }
0x13: {  	[smem:$0x3FA8] =	sst s0;
	s0 =	simm.s32 @!p1 $0x0  }
0x14: {  	s2 =	sld [smem:$0x3F8C];
	s0 =	simm.s32 @p1 $0x1  }
0x15: {  	[smem:$0x3FA9] =	sst s0;
	s0 =	simm.s32 @!p2 $0x0  }
0x16: {  	s3 =	sld [smem:$0x3FDB];
	s0 =	simm.s32 @p2 $0x1  }
0x17: {  	s4 =	simm.s32 $0x1BF5;
	[smem:$0x3FAB] =	sst s0  }
0x18: {  	s0 =	sld [smem:$0x3F8E];
	_ =	swait.ge [sflag:s4], $0x0  }
0x19: {  	s7 =	sld [smem:$0x3F8F]  }
0x1a: {  	s8 =	sadd.s32 $0xFFFFE003, lr  }
0x1b: {  	s9 =	sadd.s32 $0xFFFFFEF7, lr;
	s5 =	simm.s32 $0xFFFFFFFF;
	p2 =	slt.u32 s8, $0xFFFFF086  }
0x1c: {  	p1 =	slt.u32 s9, $0xF7A;
	s5 =	simm.s32 @!p2 $0x0  }
0x1d: {  	s5 =	simm.s32 @p1 $0x1;
	p0 =	seq.s32 s7, s2  }
0x1e: {  	s7 =	smul.u32 @!p0 $0xF7A, s2;
	p2 =	seq.s32 @!p0 s5, $0x0  }
0x1f: {  	s9 =	smul.u32 $0xF7A, s1;
	s8 =	simm.s32 @!p0 $0x1BF5;
	p2 =	por !p2, p0  }
0x20: {  	[sflag:s8] =	ssyncset.s32 @!p0 $0xFFFFF086;
	s6 =	sadd.s32 @!p0 s3, s7;
	s7 =	simm.s32 @!p0 $0x108  }
0x21: {  	s3 =	sadd.s32 s3, s9;
	s6 =	sadd.s32 @!p0 $0x88, s6;
	s7 =	simm.s32 @p2 $0x1082  }
0x22: {  	[simem:s7], [sflag:s8] =	dma.local @!p0 [hbm:s6], $0xF7A  }
0x23: {  	s9 =	sor.u32 $0xD0000000, s2;
	s6 =	simm.s32 $0x108;
	_ =	swait.ge @!p0 [sflag:s8], $0x0  }
0x24: {  	s3 =	sadd.s32 $0x88, s3;
	s6 =	simm.s32 @!p1 $0x1082;
	[sflag:s4] =	ssyncset.s32 $0xFFFFF086  }
0x25: {  	[simem:s6], [sflag:s4] =	dma.local [hbm:s3], $0xF7A  }
0x26: {  	[smem:$0x3F8F] =	sst s1;
	(tag) =	ssettag s2;
	_ =	strace s9  }
0x27: {  	s1 =	sld [smem:$0x3F9F]  }
0x28: {  	s2 =	sld [smem:$0x3FA0]  }
0x29: {  	s4 =	sld [smem:$0x3FA2]  }
0x2a: {  	p0 =	seq.s32 s5, $0x0;
	s5 =	sld [smem:$0x3FA3]  }
0x2b: {  	s6 =	sld [smem:$0x3FA4]  }
0x2c: {  	s7 =	sld [smem:$0x3FA5]  }
0x2d: {  	s3 =	simm.s32 $0x108;
	s8 =	sld [smem:$0x3FA6]  }
0x2e: {  	s3 =	simm.s32 @!p0 $0x1082;
	s9 =	sld [smem:$0x3FA7]  }
0x2f: {  	lr =	sadd.s32 s0, s3;
	s0 =	sld [smem:$0x3F9E]  }
0x30: {  	s3 =	sld [smem:$0x3FA1]  }
0x31: {  	[smem:$0x3FAA] =	sst s10  }
0x32: {  	s10 =	sld [smem:$0x3FA8];
	_ =	sdelay $0x3  }
0x33: {  	p0 =	seq.s32 s10, $0x1;
	s10 =	sld [smem:$0x3FAA];
	_ =	sdelay $0x3  }
0x34: {  	[smem:$0x3FAA] =	sst s10  }
0x35: {  	s10 =	sld [smem:$0x3FA9];
	_ =	sdelay $0x3  }
0x36: {  	p1 =	seq.s32 s10, $0x1;
	s10 =	sld [smem:$0x3FAA];
	_ =	sdelay $0x3  }
0x37: {  	[smem:$0x3FAA] =	sst s10  }
0x38: {  	s10 =	sld [smem:$0x3FAB]  }
0x39: {  	_ = 	snop;
	(pc) =	sbr.ind lr, $3  }
0x3a: {  	_ = 	snop  }
0x3b: {  	_ = 	snop  }
0x3c: {  	p2 =	seq.s32 s10, $0x1;
	s10 =	sld [smem:$0x3FAA]  }
0x3d: {  	_ =	shalt  }
0x3e: {  	_ =	shalt  }
0x3f: {  	_ =	shalt  }
0x40: {  	_ =	shalt  }
0x41: {  	_ =	shalt  }
0x42: {  	_ =	shalt  }
0x43: {  	_ =	shalt  }
0x44: {  	_ =	shalt  }
0x45: {  	_ =	shalt  }
0x46: {  	_ =	shalt  }
0x47: {  	_ =	shalt  }
0x48: {  	_ =	shalt  }
0x49: {  	_ =	shalt  }
0x4a: {  	_ =	shalt  }
0x4b: {  	_ =	shalt  }
0x4c: {  	_ =	shalt  }
0x4d: {  	_ =	shalt  }
0x4e: {  	_ =	shalt  }
0x4f: {  	_ =	shalt  }
0x50: {  	_ =	shalt  }
0x51: {  	_ =	shalt  }
0x52: {  	_ =	shalt  }
0x53: {  	_ =	shalt  }
0x54: {  	_ =	shalt  }
0x55: {  	_ =	shalt  }
0x56: {  	_ =	shalt  }
0x57: {  	_ =	shalt  }
0x58: {  	_ =	shalt  }
0x59: {  	_ =	shalt  }
0x5a: {  	_ =	shalt  }
0x5b: {  	_ =	shalt  }
0x5c: {  	_ =	shalt  }
0x5d: {  	_ =	shalt  }
0x5e: {  	_ =	shalt  }
0x5f: {  	_ =	shalt  }
0x60: {  	_ =	shalt  }
0x61: {  	_ =	shalt  }
0x62: {  	_ =	shalt  }
0x63: {  	_ =	shalt  }
0x64: {  	_ =	shalt  }
0x65: {  	_ =	shalt  }
0x66: {  	_ =	shalt  }
0x67: {  	_ =	shalt  }
0x68: {  	_ =	shalt  }
0x69: {  	_ =	shalt  }
0x6a: {  	_ =	shalt  }
0x6b: {  	_ =	shalt  }
0x6c: {  	_ =	shalt  }
0x6d: {  	_ =	shalt  }
0x6e: {  	_ =	shalt  }
0x6f: {  	_ =	shalt  }
0x70: {  	_ =	shalt  }
0x71: {  	_ =	shalt  }
0x72: {  	_ =	shalt  }
0x73: {  	_ =	shalt  }
0x74: {  	_ =	shalt  }
0x75: {  	_ =	shalt  }
0x76: {  	_ =	shalt  }
0x77: {  	_ =	shalt  }
0x78: {  	_ =	shalt  }
0x79: {  	_ =	shalt  }
0x7a: {  	_ =	shalt  }
0x7b: {  	_ =	shalt  }
0x7c: {  	_ =	shalt  }
0x7d: {  	_ =	shalt  }
0x7e: {  	_ =	shalt  }
0x7f: {  	_ =	shalt  }
0x80: {  	_ =	shalt  }
0x81: {  	_ =	shalt  }
0x82: {  	_ =	shalt  }
0x83: {  	_ =	shalt  }
0x84: {  	_ =	shalt  }
0x85: {  	_ =	shalt  }
0x86: {  	_ =	shalt  }
0x87: {  	_ =	shalt  }
.Lfunc_end0:
.L_simem_size_0:
called_computation_lowered:
.L_overlay_start_0:
0x88: {  	s2 =	sld [smem:$0x3FD9]  }
0x89: {  	s3 =	sld [smem:$0x3FFE];
	_ =	sdelay $0x1  }
0x8a: {  	s1 =	srdreg.scid  }
0x8b: {  	s0 =	sand.u32 $0x1, s1  }
0x8c: {  	s17 =	sshll.u32 s0, $0xA;
	s2 =	sadd.s32 s3, s2  }
0x8d: {  	s2 =	sadd.s32 s2, s17  }
0x8e: {  	[smem:$0x3FB6] =	sst s2  }
0x8f: {  	_ = 	snop  }
0x90: {  	s2 =	sld [smem:$0x3FD0];
	(tm) =	ssettm $0x1  }
0x91: {  	s18 =	sld [smem:$0x3FFB];
	_ =	sdelay $0x3  }
0x92: {  	_ =	strace s18  }
0x93: {  	s3 =	sld [smem:$0x3FFC];
	_ =	sdelay $0x3  }
0x94: {  	_ =	strace s3  }
0x95: {  	s3 =	sld [smem:$0x3FFD];
	_ =	sdelay $0x3  }
0x96: {  	_ =	strace s3  }
0x97: {  	_ =	strace $0x8FFFFFFF  }
0x98: {  	s19 =	sld [smem:$0x3FDB];
	_ =	sdelay $0x1  }
0x99: {  	s4 =	simm.s32 $_scs_section_size  }
0x9a: {  	s5 =	simm.s32 $_size__tile_overlayer_lowered;
	s6 =	simm.s32 $_tile_overlayer_lowered  }
0x9b: {  	s22 =	simm.s32 $0x1BFF;
	s21 =	sshll.u32 s6, $0x1;
	s3 =	sadd.s32 s4, s19  }
0x9c: {  	s7 =	simm.s32 $0x0;
	s20 =	sshll.u32 s5, $0x1;
	s5 =	sadd.s32 s21, s3  }
0x9d: {  	[timem:s7], [sflag:s22] =	dma.local [hbm:s5], s20  }
0x9e: {  	_ =	swait.ge [sflag:s22], s20  }
0x9f: {  	s4 =	ssub.s32 $0x0, s20;
	[sflag:s22] =	ssyncset.done $0x0  }
0xa0: {  	[sflag:s22] =	ssyncadd.s32 s4;
	_ =	sdelay $0x1  }
0xa1: {  	s23 =	simm.s32 $0x1B8B  }
0xa2: {  	_ =	swait.ge [sflag:s23], $0x1  }
0xa3: {  	[sflag:s23] =	ssyncset.done $0x0  }
0xa4: {  	s25 =	simm.s32 $0x1B8E;
	s24 =	sld [smem:$0x3FFE];
	[sflag:s23] =	ssyncadd.s32 $0xFFFFFFFF  }
0xa5: {  	s26 =	simm.s32 $execute0_lowered;
	[smem:$0x3FD2] =	sst s25  }
0xa6: {  	s5 =	sshll.u32 s26, $0x1;
	_ =	strace $0x80000046;
	[dreg:$0x1] =	wrdreg $0xFFFFFFFF  }
0xa7: {  	s28 =	simm.s32 $_size_execute0_lowered;
	s3 =	sadd.s32 s3, s5;
	[dreg:$0x0] =	wrdreg $0x0  }
0xa8: {  	s5 =	sshll.u32 s28, $0x1;
	[dreg:$0x2] =	wrdreg s3  }
0xa9: {  	[dreg:$0x3] =	wrdreg s5  }
0xaa: {  	[dreg:$0x4] =	wrdreg $0xC0  }
0xab: {  	_ =	task [dreg:s7], $0x5FFFF  }
0xac: {  	[dreg:$0x1] =	wrdreg $0xFFFFFFFF  }
0xad: {  	[dreg:$0x0] =	wrdreg $0x60  }
0xae: {  	[dreg:$0x2] =	wrdreg s2  }
0xaf: {  	[dreg:$0x3] =	wrdreg s24  }
0xb0: {  	[dreg:$0x4] =	wrdreg $0x1CD200  }
0xb1: {  	[dreg:$0x5] =	wrdreg $0x9  }
0xb2: {  	_ =	task.clear_ibuf [dreg:s7], $0x6FFFF;
	_ =	strace $0x90000046  }
0xb3: {  	s29 =	simm.s32 $0x9;
	_ =	strace $0x80000048  }
0xb4: {  	_ =	swait.ge [sflag:s29], $0x1  }
0xb5: {  	[sflag:s29] =	ssyncadd.s32 $0xFFFFFFFF  }
0xb6: {  	_ =	strace $0x90000048  }
0xb7: {  	_ =	sfence  }
0xb8: {  	s30 =	sld [smem:$0x0];
	_ =	sdelay $0x2  }
0xb9: {  	s31 =	sshll.u32 s1, $0xD;
	s1 =	sshrl.u32 s1, $0x2  }
0xba: {  	s3 =	sand.u32 $0x4000, s31;
	s1 =	sadd.s32 s1, s30  }
0xbb: {  	s0 =	sor.u32 s3, s0;
	s1 =	sshll.u32 s1, $0x11  }
0xbc: {  	s0 =	sor.u32 s1, s0  }
0xbd: {  	s0 =	sadd.s32 $0x8F2B, s0  }
0xbe: {  	[sflag:s0] =	ssyncadd.remote.s32 $0x1  }
0xbf: {  	_ =	sfence.sel $0xFFFF  }
0xc0: {  	[dreg:$0x0] =	wrdreg $0xFFFFFFFF;
	(pc) =	sbr.abs _section_cstart, $3  }
0xc1: {  	[dreg:$0x1] =	wrdreg $0xFFFFFFFF  }
0xc2: {  	_ =	task.clear_ibuf [dreg:s7], $0x2FFFF;
	_ =	strace $0x9FFFFFFF  }
0xc3: {  	(tm) =	ssettm $0x7FFFFFFF  }
tec
execute0_lowered:
.L_overlay_start_1:
0x0: {  	(tag) =	ssettag $0x1  }
0x1: {  	s0 =	rddreg [dreg:$0x0]  }
0x2: {  	s2 =	rddreg [dreg:$0x1]  }
0x3: {  	s1 =	srdreg.scid;
	s3 =	rddreg [dreg:$0x2]  }
0x4: {  	s14 =	stileid.u32;
	s4 =	simm.s32 $0x0;
	s18 =	simm.s32 $0x7  }
0x5: {  	s19 =	simm.s32 $0x2710;
	s20 =	simm.s32 $0x1C520;
	s28 =	simm.s32 $0x14820  }
0x6: {  	s29 =	simm.s32 $0x2;
	s31 =	simm.s32 $0x4;
	s30 =	simm.s32 $0x0  }
0x7: {  	s1 =	sand.u32 $0x1, s1;
	[smem:$0x7FF] =	sst s4;
	s7 =	smul.u32 $0xA000, s14  }
0x8: {  	s15 =	sadd.s32 $0x18000, s2;
	s16 =	sadd.s32 $0x1D000, s2;
	s23 =	smul.u32 $0x2700, s14  }
0x9: {  	s26 =	sadd.s32 $0x27000, s3;
	p1 =	sne.s32 s14, $0xF;
	p2 =	seq.s32 s14, $0xF  }
0xa: {  	s5 =	sshll.u32 s1, $0x4;
	_ =	strace $0x80000047;
	[dreg:$0x4] =	wrdreg s15  }
0xb: {  	s6 =	ssub.s32 $0x2, s1;
	p0 =	seq.s32 s1, $0x1;
	[dreg:$0x5] =	wrdreg s16  }
0xc: {  	s1 =	sshrl.u32 s26, $0x3;
	s26 =	simm.s32 $0x6;
	s5 =	sor.u32 s14, s5  }
0xd: {  	s8 =	sshrl.u32 s6, $0x1;
	s22 =	sshrl.u32 s7, $0x2;
	s24 =	sshrl.u32 s23, $0x3  }
0xe: {  	[dreg:$0x8] =	wrdreg s1;
	s5 =	smul.u32 $0x2710, s5;
	s21 =	ssub.s32 s6, s8  }
0xf: {  	s8 =	sadd.s32 s22, s3;
	s25 =	sadd.s32 s15, s24;
	s15 =	sadd.s32 s23, s3  }
0x10: {  	s22 =	simm.s32 $0x4E20;
	s23 =	simm.s32 $0xCB20;
	s6 =	simm.s32 $0x5  }
0x11: {  	s10 =	sadd.s32 $0x800, s8;
	s11 =	sadd.s32 $0x1000, s8;
	s12 =	sadd.s32 $0x1800, s8  }
.Ltmp0:
0x12: {  	s13 =	sadd.s32 $0x2000, s8;
	[dreg:$0x6] =	wrdreg s25;
	(pc) =	sbr.rel .LBB2_1-.Ltmp0, $4  }
0x13: {  	s17 =	smax.u32 s21, $0x1;
	s21 =	simm.s32 $0x7D0;
	s5 =	sshrl.u32 s5, $0x3  }
0x14: {  	s25 =	simm.s32 $0x4650;
	s5 =	sadd.s32 s5, s2;
	s2 =	simm.s32 $0x3  }
0x15: {  	s7 =	sadd.s32 $0x4600, s5;
	s9 =	sadd.s32 $0xE240, s5;
	s5 =	sadd.s32 s16, s24  }
0x16: {  	v0 =	vimm.f32 $0.0e+00;
	s24 =	simm.s32 $0x1;
	s16 =	simm.s32 $0x3E80;
	[dreg:$0x7] =	wrdreg s5  }
.LBB2_6:
0x17: {  	s5 =	sadd.s32 $0x4E00, s5;
	s14 =	rddreg [dreg:$0x8]  }
0x18: {  	[hbm:s5], [sflag:s1] =	dma.local [spmem:s14], $0x20  }
0x19: {  	_ =	swait.ge [sflag:s18], $0x20  }
0x1a: {  	[sflag:s18] =	ssyncset.done $0x0  }
0x1b: {  	[sflag:s18] =	ssyncadd.s32 $0xFFFFFFE0  }
.LBB2_7:
0x1c: {  	s30 =	sadd.s32 $0x1, s30  }
0x1d: {  	p3 =	sne.s32 s30, s17  }
.Ltmp1:
0x1e: {  	_ = 	snop;
	(pc) =	sbr.rel @!p3 .LBB2_8-.Ltmp1, $1  }
0x1f: {  	_ =	sdelay $0x3  }
.LBB2_1:
0x20: {  	[tilespmem:s4], [sflag:$0x7] =	stream.linear.gather [hbm4b:s7+s4], $0x2710, $0x38;
	[tilespmem:$0x1F520] =	vst v63  }
0x21: {  	_ =	swait.ge [sflag:s18], $0x2710  }
0x22: {  	[sflag:s18] =	ssyncset.done $0x0  }
0x23: {  	[sflag:s18] =	ssyncadd.s32 $0xFFFFD8F0  }
0x24: {  	[tilespmem:s19], [sflag:$0x7] =	stream.linear.gather [hbm4b:s9+s4], $0x2710, $0x38;
	[tilespmem:$0x1F520] =	vst v63  }
0x25: {  	_ =	swait.ge [sflag:s18], $0x2710  }
0x26: {  	[sflag:s18] =	ssyncset.done $0x0  }
0x27: {  	s1 =	simm.s32 $0x40;
	s5 =	simm.s32 $0x0;
	[sflag:s18] =	ssyncadd.s32 $0xFFFFD8F0  }
.LBB2_2:
0x28: {  	p3 =	sne.s32 s1, $0x1FC0;
	[tilespmem:s5+$0x1C520] =	vst v0;
	s5 =	smov.u32 s1;
	s1 =	sadd.s32 $0x40, s1  }
.Ltmp2:
0x29: {  	(pc) =	sbr.rel @p3 .LBB2_2-.Ltmp2, $2  }
0x2a: {  	_ =	sdelay $0x2  }
0x2b: {  	s5 =	sshra.s32 s5, $0x2  }
0x2c: {  	[tilespmem:s5+$0x1C520] =	vst v0  }
0x2d: {  	[spmem:s8] =	stream.linear.scatter [tilespmem:s20], [sflag:$0x7], $0x800, $0x38;
	[tilespmem:$0x1F520] =	vst v63  }
0x2e: {  	_ =	swait.ge [sflag:s18], $0x800  }
0x2f: {  	[sflag:s18] =	ssyncset.done $0x0  }
0x30: {  	[sflag:s18] =	ssyncadd.s32 $0xFFFFF800  }
0x31: {  	[spmem:s10] =	stream.linear.scatter [tilespmem:s20], [sflag:$0x7], $0x800, $0x38;
	[tilespmem:$0x1F520] =	vst v63  }
0x32: {  	_ =	swait.ge [sflag:s18], $0x800  }
0x33: {  	[sflag:s18] =	ssyncset.done $0x0  }
0x34: {  	[sflag:s18] =	ssyncadd.s32 $0xFFFFF800  }
0x35: {  	[spmem:s11] =	stream.linear.scatter [tilespmem:s20], [sflag:$0x7], $0x800, $0x38;
	[tilespmem:$0x1F520] =	vst v63  }
0x36: {  	_ =	swait.ge [sflag:s18], $0x800  }
0x37: {  	[sflag:s18] =	ssyncset.done $0x0  }
0x38: {  	[sflag:s18] =	ssyncadd.s32 $0xFFFFF800  }
0x39: {  	[spmem:s12] =	stream.linear.scatter [tilespmem:s20], [sflag:$0x7], $0x800, $0x38;
	[tilespmem:$0x1F520] =	vst v63  }
0x3a: {  	_ =	swait.ge [sflag:s18], $0x800  }
0x3b: {  	[sflag:s18] =	ssyncset.done $0x0  }
0x3c: {  	[sflag:s18] =	ssyncadd.s32 $0xFFFFF800  }
0x3d: {  	[spmem:s13] =	stream.linear.scatter [tilespmem:s20], [sflag:$0x7], $0x800, $0x38;
	[tilespmem:$0x1F520] =	vst v63  }
0x3e: {  	_ =	swait.ge [sflag:s18], $0x800  }
0x3f: {  	[sflag:s18] =	ssyncset.done $0x0  }
0x40: {  	[sflag:s18] =	ssyncadd.s32 $0xFFFFF800  }
0x41: {  	[bflag:$0x0] =	sbarrier.arrive $0xFFFF  }
0x42: {  	[tilespmem:s22], [sflag:$0x1] =	stream.indirect.gather [hbm4b:s0+s21], $0x10, s4, s21, $0xb8;
	[tilespmem:$0x1F520] =	vst v63  }
0x43: {  	_ = 	snop  }
0x44: {  	[tilespmem:s23], [sflag:$0x2] =	stream.indirect.gather [hbm4b:s0+s21], $0x10, s21, s21, $0xb8;
	[tilespmem:$0x1F520] =	vst v63  }
0x45: {  	_ =	swait.ge [sflag:s24], $0x7D00  }
0x46: {  	[sflag:s24] =	ssyncset.done $0x0  }
0x47: {  	[sflag:s24] =	ssyncadd.s32 $0xFFFF8300  }
0x48: {  	[spmem:s3] =	stream.indirect.scatter.add.f32 [tilespmem:s22], [sflag:$0x4], $0x10, s19, s21, $0xb8;
	[tilespmem:$0x1F520] =	vst v63  }
0x49: {  	s1 =	simm.s32 $0xFA0  }
0x4a: {  	[tilespmem:s28], [sflag:$0x3] =	stream.indirect.gather [hbm4b:s0+s21], $0x10, s1, s21, $0xb8;
	[tilespmem:$0x1F520] =	vst v63  }
0x4b: {  	_ =	swait.ge [sflag:s29], $0x7D00  }
0x4c: {  	[sflag:s29] =	ssyncset.done $0x0  }
0x4d: {  	s14 =	simm.s32 $0x2EE0;
	[sflag:s29] =	ssyncadd.s32 $0xFFFF8300  }
0x4e: {  	[spmem:s3] =	stream.indirect.scatter.add.f32 [tilespmem:s23], [sflag:$0x5], $0x10, s14, s21, $0xb8;
	[tilespmem:$0x1F520] =	vst v63  }
0x4f: {  	_ =	swait.ge [sflag:s31], $0x7D00  }
0x50: {  	[sflag:s31] =	ssyncset.done $0x0  }
0x51: {  	s5 =	simm.s32 $0x1770;
	[sflag:s31] =	ssyncadd.s32 $0xFFFF8300  }
0x52: {  	[tilespmem:s22], [sflag:$0x1] =	stream.indirect.gather [hbm4b:s0+s21], $0x10, s5, s21, $0xb8;
	[tilespmem:$0x1F520] =	vst v63  }
0x53: {  	_ =	swait.ge [sflag:s2], $0x7D00  }
0x54: {  	[sflag:s2] =	ssyncset.done $0x0  }
0x55: {  	s14 =	simm.s32 $0x36B0;
	[sflag:s2] =	ssyncadd.s32 $0xFFFF8300  }
0x56: {  	[spmem:s3] =	stream.indirect.scatter.add.f32 [tilespmem:s28], [sflag:$0x6], $0x10, s14, s21, $0xb8;
	[tilespmem:$0x1F520] =	vst v63  }
0x57: {  	_ =	swait.ge [sflag:s6], $0x7D00  }
0x58: {  	[sflag:s6] =	ssyncset.done $0x0  }
0x59: {  	s5 =	simm.s32 $0x1F40;
	[sflag:s6] =	ssyncadd.s32 $0xFFFF8300  }
0x5a: {  	[tilespmem:s23], [sflag:$0x2] =	stream.indirect.gather [hbm4b:s0+s21], $0x10, s5, s21, $0xb8;
	[tilespmem:$0x1F520] =	vst v63  }
0x5b: {  	_ =	swait.ge [sflag:s24], $0x7D00  }
0x5c: {  	[sflag:s24] =	ssyncset.done $0x0  }
0x5d: {  	[sflag:s24] =	ssyncadd.s32 $0xFFFF8300  }
0x5e: {  	[spmem:s3] =	stream.indirect.scatter.add.f32 [tilespmem:s22], [sflag:$0x4], $0x10, s16, s21, $0xb8;
	[tilespmem:$0x1F520] =	vst v63  }
0x5f: {  	_ =	swait.ge [sflag:s26], $0x7D00  }
0x60: {  	[sflag:s26] =	ssyncset.done $0x0  }
0x61: {  	[sflag:s26] =	ssyncadd.s32 $0xFFFF8300  }
0x62: {  	_ =	swait.ge [sflag:s29], $0x7D00  }
0x63: {  	[sflag:s29] =	ssyncset.done $0x0  }
0x64: {  	[sflag:s29] =	ssyncadd.s32 $0xFFFF8300  }
0x65: {  	[spmem:s3] =	stream.indirect.scatter.add.f32 [tilespmem:s23], [sflag:$0x5], $0x10, s25, s21, $0xb8;
	[tilespmem:$0x1F520] =	vst v63  }
0x66: {  	_ =	swait.ge [sflag:s31], $0x7D00  }
0x67: {  	[sflag:s31] =	ssyncset.done $0x0  }
0x68: {  	[sflag:s31] =	ssyncadd.s32 $0xFFFF8300  }
.Ltmp3:
0x69: {  	_ =	swait.ge [sflag:s6], $0x7D00;
	(pc) =	sbr.rel @!p0 .LBB2_4-.Ltmp3, $4  }
0x6a: {  	[sflag:s6] =	ssyncset.done $0x0  }
0x6b: {  	s14 =	stileid.u32;
	[sflag:s6] =	ssyncadd.s32 $0xFFFF8300  }
0x6c: {  	s14 =	sshll.u32 s14, $0x6;
	[bflag:$0x0] =	sbarrier.arrive $0xFFFF  }
0x6d: {  	s1 =	sor.u32 $0x1C07, s14;
	s5 =	sshrl.u32 s15, $0x3  }
0x6e: {  	s1 =	sor.u32 $0x1C07, s14;
	s14 =	rddreg [dreg:$0x7]  }
0x6f: {  	[hbm:s14], [sflag:s1] =	dma.local [spmem:s5], $0x4E0  }
.Ltmp4:
0x70: {  	_ = 	snop;
	(pc) =	sbr.rel @p1 .LBB2_7-.Ltmp4, $4  }
.Ltmp5:
0x71: {  	_ = 	snop;
	(pc) =	sbr.rel @!p1 .LBB2_6-.Ltmp5, $4  }
0x72: {  	_ =	swait.ge [sflag:s18], $0x4E0  }
0x73: {  	[sflag:s18] =	ssyncset.done $0x0  }
0x74: {  	s5 =	rddreg [dreg:$0x5];
	[sflag:s18] =	ssyncadd.s32 $0xFFFFFB20  }
0x75: {  	_ = 	snop  }
.LBB2_4:
0x76: {  	s14 =	rddreg [dreg:$0x6]  }
0x77: {  	[hbm:s14], [sflag:s1] =	dma.local [spmem:s5], $0x4E0  }
.Ltmp6:
0x78: {  	_ = 	snop;
	(pc) =	sbr.rel @p2 .LBB2_6-.Ltmp6, $4  }
.Ltmp7:
0x79: {  	_ = 	snop;
	(pc) =	sbr.rel @!p2 .LBB2_7-.Ltmp7, $4  }
0x7a: {  	_ =	swait.ge [sflag:s18], $0x4E0  }
0x7b: {  	[sflag:s18] =	ssyncset.done $0x0  }
0x7c: {  	s5 =	rddreg [dreg:$0x4];
	[sflag:s18] =	ssyncadd.s32 $0xFFFFFB20  }
0x7d: {  	_ = 	snop  }
.LBB2_8:
0x7e: {  	_ =	sfence.sel $0x180000  }
0x7f: {  	[bflag:$0x0] =	sbarrier.arrive $0xFFFF  }
0x80: {  	_ =	strace $0x90000047  }
0x81: {  	s0 =	stileid.u32;
	[bflag:$0x2] =	sbarrier.arrive $0xFFFF  }
0x82: {  	p0 =	sne.s32 s0, $0x0;
	s0 =	rddreg [dreg:$0x3]  }
0x83: {  	s0 =	sadd.s32 @!p0 $0x100000, s0  }
0x84: {  	[sflag:s0] =	ssyncadd.tile.s32 @!p0 $0x1;
	_ =	shalt  }
.Lfunc_end2:
_tile_overlayer_lowered:
.L_overlay_start_2:
0x85: {  	(tag) =	ssettag $0x2  }
0x86: {  	s0 =	rddreg [dreg:$0x0];
	s2 =	stileid.u32  }
0x87: {  	s1 =	rddreg [dreg:$0x1];
	p0 =	sne.s32 s2, $0x0  }
0x88: {  	s3 =	rddreg [dreg:$0x2];
	[bflag:$0x3] =	sbarrier.arrive $0xFFFF;
	s2 =	simm.s32 @!p0 $0x1C07  }
0x89: {  	[timem:s3], [sflag:s2] =	dma.local @!p0 [hbm:s0], s1  }
0x8a: {  	s0 =	simm.s32 @!p0 $0x7  }
0x8b: {  	_ =	swait.ge @!p0 [sflag:s0], s1  }
0x8c: {  	s1 =	ssub.s32 @!p0 $0x0, s1;
	[sflag:s0] =	ssyncset.done @!p0 $0x0  }
0x8d: {  	[sflag:s0] =	ssyncadd.s32 @!p0 s1  }
0x8e: {  	[bflag:$0x3] =	sbarrier.arrive $0xFFFF  }
0x8f: {  	_ =	shalt  }

</sc_bundles>
